<compile_context>
chip_gen: v7x
topology: tpu7x:2x2x1
jax: 0.10.2.dev20260603
libtpu: 0.0.44.dev20260713+nightly
codegen_flags: <defaults>
</compile_context>

<pallas_src>
import jax
import jax.numpy as jnp
from jax import lax
from jax.experimental import pallas as pl
from jax.experimental.pallas import tpu as pltpu
from jax.experimental.pallas import tpu_sc as plsc

N = 320000
FEAT = 128
NSEG = 10000

NC = 2
NS = 16
NW = NC * NS
RW = N // NW
CH = 80
NCHUNK = RW // CH
PLANE_R = 80
NSEG_PAD = 10240
SEG_PER_TILE = NSEG_PAD // NS


def _segsum_body(x_hbm, ids_hbm, osum_hbm, ocnt_hbm,
                 table, xb0, xb1, ib0, ib1, idsw, endt, startt,
                 sx0, sx1, si0, si1):
    cid = lax.axis_index("c")
    sid = lax.axis_index("s")
    wid = cid * NS + sid
    base = wid * RW

    r0 = sid * SEG_PER_TILE
    z16 = jnp.zeros((16,), jnp.float32)

    def zbody(j, carry):
        r = jax.lax.shift_right_logical(j, 3)
        c = jax.lax.bitwise_and(j, 7) * 16
        xb0[r, pl.ds(c, 16)] = z16
        endt[r, pl.ds(c, 16)] = z16
        startt[r, pl.ds(c, 16)] = z16
        return carry

    lax.fori_loop(0, PLANE_R * (FEAT // 16), zbody, 0)
    for j in range(SEG_PER_TILE // CH):
        pltpu.sync_copy(xb0, table.at[pl.ds(r0 + j * CH, CH), :])
    plsc.subcore_barrier()

    pltpu.sync_copy(ids_hbm.at[pl.ds(base, RW)], idsw.at[pl.ds(16, RW)])
    lo = jnp.full((16,), -1, jnp.int32)
    hi = jnp.full((16,), 1 << 30, jnp.int32)
    idsw[pl.ds(0, 16)] = lo
    idsw[pl.ds(16 + RW, 16)] = hi
    iota16 = jnp.arange(16, dtype=jnp.int32)

    def cbody(j, carry):
        k = j * 16
        cur = idsw[pl.ds(16 + k, 16)]
        nxt = idsw[pl.ds(17 + k, 16)]
        prv = idsw[pl.ds(15 + k, 16)]
        gpos = iota16 + k
        row = jax.lax.shift_right_logical(cur, 7)
        col = jax.lax.bitwise_and(cur, 127)
        plsc.store_scatter(endt, [row, col],
                           (gpos + 1).astype(jnp.float32), mask=cur != nxt)
        plsc.store_scatter(startt, [row, col],
                           gpos.astype(jnp.float32), mask=cur != prv)
        return carry

    lax.fori_loop(0, RW // 16, cbody, 0)

    def sbody(j, carry):
        r = jax.lax.shift_right_logical(j, 3)
        c = jax.lax.bitwise_and(j, 7) * 16
        endt[r, pl.ds(c, 16)] = endt[r, pl.ds(c, 16)] - startt[r, pl.ds(c, 16)]
        return carry

    lax.fori_loop(0, PLANE_R * (FEAT // 16), sbody, 0)
    pltpu.sync_copy(endt, ocnt_hbm.at[pl.ds(wid * PLANE_R, PLANE_R), :])

    @pl.loop(0, NCHUNK)
    def _loop(i):
        off = base + i * CH
        pltpu.sync_copy(x_hbm.at[pl.ds(off, CH), :], xb0)
        for q in range(CH // 16):
            ib0[pl.ds(q * 16, 16)] = idsw[pl.ds(16 + i * CH + q * 16, 16)]
        pltpu.sync_copy(xb0, table.at[ib0], add=True)

    plsc.subcore_barrier()
    o0 = cid * NSEG_PAD + r0
    for j in range(SEG_PER_TILE // CH):
        pltpu.sync_copy(table.at[pl.ds(r0 + j * CH, CH), :], xb0)
        pltpu.sync_copy(xb0, osum_hbm.at[pl.ds(o0 + j * CH, CH), :])

_segsum = pl.kernel(
    _segsum_body,
    out_type=(
        jax.ShapeDtypeStruct((NC * NSEG_PAD, FEAT), jnp.float32),
        jax.ShapeDtypeStruct((NW * PLANE_R, FEAT), jnp.float32),
    ),
    mesh=plsc.VectorSubcoreMesh(core_axis_name="c", subcore_axis_name="s",
                                num_cores=NC, num_subcores=NS),
    compiler_params=pltpu.CompilerParams(needs_layout_passes=False),
    scratch_types=[
        pltpu.VMEM_SHARED((NSEG_PAD, FEAT), jnp.float32),
        pltpu.VMEM((CH, FEAT), jnp.float32),
        pltpu.VMEM((CH, FEAT), jnp.float32),
        pltpu.VMEM((CH,), jnp.int32),
        pltpu.VMEM((CH,), jnp.int32),
        pltpu.VMEM((RW + 32,), jnp.int32),
        pltpu.VMEM((PLANE_R, FEAT), jnp.float32),
        pltpu.VMEM((PLANE_R, FEAT), jnp.float32),
        pltpu.SemaphoreType.DMA,
        pltpu.SemaphoreType.DMA,
        pltpu.SemaphoreType.DMA,
        pltpu.SemaphoreType.DMA,
    ],
)


def _mlp_body(psum_ref, pcnt_ref, w1_ref, b1_ref, w2_ref, out_ref):
    sums = (psum_ref[:NSEG, :]
            + psum_ref[NSEG_PAD:NSEG_PAD + NSEG, :])
    cntp = jnp.zeros((PLANE_R, FEAT), jnp.float32)
    for w in range(NW):
        cntp = cntp + pcnt_ref[w * PLANE_R:(w + 1) * PLANE_R, :]
    s_i = jax.lax.broadcasted_iota(jnp.int32, (NSEG, PLANE_R), 0)
    r_i = jax.lax.broadcasted_iota(jnp.int32, (NSEG, PLANE_R), 1)
    A = (jax.lax.shift_right_logical(s_i, 7) == r_i).astype(jnp.float32)
    rows = jax.lax.dot_general(A, cntp, (((1,), (0,)), ((), ())),
                               preferred_element_type=jnp.float32)
    s_j = jax.lax.broadcasted_iota(jnp.int32, (NSEG, FEAT), 0)
    c_j = jax.lax.broadcasted_iota(jnp.int32, (NSEG, FEAT), 1)
    B = (jax.lax.bitwise_and(s_j, 127) == c_j).astype(jnp.float32)
    cnt = jnp.sum(rows * B, axis=1, keepdims=True)
    means = sums / jnp.maximum(cnt, 1.0)
    h = jax.lax.dot_general(means, w1_ref[...],
                            (((1,), (1,)), ((), ())),
                            preferred_element_type=jnp.float32)
    h = jnp.tanh(h + b1_ref[...])
    scores = jax.lax.dot_general(h, w2_ref[...],
                                 (((1,), (1,)), ((), ())),
                                 preferred_element_type=jnp.float32)
    present = cnt > 0.0
    scores = jnp.where(present, scores, jnp.full_like(scores, -1e30))
    m = jnp.max(scores)
    e = jnp.exp(scores - m)
    out_ref[...] = e / jnp.sum(e)

_mlp = pl.pallas_call(
    _mlp_body,
    out_shape=jax.ShapeDtypeStruct((NSEG, 1), jnp.float32),
)


def _gather_body(attn_hbm, ids_hbm, out_hbm, table_v, ids_v, out_v):
    cid = lax.axis_index("c")
    sid = lax.axis_index("s")
    base = (cid * NS + sid) * RW
    pltpu.sync_copy(attn_hbm, table_v)
    pltpu.sync_copy(ids_hbm.at[pl.ds(base, RW)], ids_v)

    def body(j, carry):
        idx = ids_v[pl.ds(j * 16, 16)]
        out_v[pl.ds(j * 16, 16)] = plsc.load_gather(table_v, [idx])
        return carry

    lax.fori_loop(0, RW // 16, body, 0)
    pltpu.sync_copy(out_v, out_hbm.at[pl.ds(base, RW)])


_gather = pl.kernel(
    _gather_body,
    out_type=jax.ShapeDtypeStruct((N,), jnp.float32),
    mesh=plsc.VectorSubcoreMesh(core_axis_name="c", subcore_axis_name="s",
                                num_cores=NC, num_subcores=NS),
    compiler_params=pltpu.CompilerParams(needs_layout_passes=False),
    scratch_types=[
        pltpu.VMEM((NSEG,), jnp.float32),
        pltpu.VMEM((RW,), jnp.int32),
        pltpu.VMEM((RW,), jnp.float32),
    ],
)


def kernel(x, subst_ids, W1, b1, W2):
    ids = subst_ids.astype(jnp.int32)
    psum, pcnt = _segsum(x, ids)
    attn = _mlp(psum, pcnt, W1, b1.reshape(1, 64), W2)
    out = _gather(attn.reshape(NSEG), ids)
    return out.reshape(N, 1)

# --- scband reference (transcript-rebuilt; emitter-appended) ---
"""Pipeline reference for scband-substructure-attention-57011395887500 (READ-ONLY COPY).

The authoritative reference and input builder live on the scoring server;
editing this copy changes nothing except your own understanding.
"""

import jax, jax.numpy as jnp
import numpy as np

N = 320000
FEAT_DIM = 128
NUM_SEG = 10000


def setup_inputs(seed: int = 0) -> dict:
    key = jax.random.key(seed)
    k1, k2, k3, k4 = jax.random.split(key, 4)
    x = jax.random.normal(k1, (N, FEAT_DIM), dtype=jnp.float32)
    subst_ids = jnp.sort(jax.random.randint(k2, (N,), 0, NUM_SEG))
    W1 = jax.random.normal(k3, (64, FEAT_DIM), dtype=jnp.float32) * (1.0 / np.sqrt(FEAT_DIM))
    b1 = jnp.zeros((64,), dtype=jnp.float32)
    W2 = jax.random.normal(k4, (1, 64), dtype=jnp.float32) * (1.0 / np.sqrt(64))
    return {"x": x, "subst_ids": subst_ids, "W1": W1, "b1": b1, "W2": W2}


def reference(x, subst_ids, W1, b1, W2):
    # segment mean over substructure ids (vectorized version of the per-unique-id loop)
    sums = jax.ops.segment_sum(x, subst_ids, num_segments=NUM_SEG)
    counts = jax.ops.segment_sum(jnp.ones((x.shape[0],), dtype=x.dtype), subst_ids, num_segments=NUM_SEG)
    present = counts > 0
    means = sums / jnp.maximum(counts, 1.0)[:, None]
    # attn_net: Linear(feat_dim,64) -> Tanh -> Linear(64,1,bias=False)
    h = jnp.tanh(means @ W1.T + b1)
    scores = h @ W2.T  # [NUM_SEG, 1]
    # softmax only over segments that actually appear (matches torch.unique behavior)
    scores = jnp.where(present[:, None], scores, jnp.full_like(scores, -1e30))
    subst_attn = jax.nn.softmax(scores, axis=0)  # [NUM_SEG, 1]
    # scatter the per-substructure attention back to each atom/row
    atom_attn = subst_attn[subst_ids]  # [N, 1]
    return atom_attn

if __name__ == "__main__":
    import jax
    _d = setup_inputs()
    print(jax.jit(kernel)(*tuple(_d.values())))

</pallas_src>

<mosaic_0001>
#map = affine_map<(d0, d1) -> (0)>
module attributes {stable_mosaic.version = 14 : i64} {
  func.func @_gather_body(%arg0: i32, %arg1: i32, %arg2: memref<10000xf32, #tpu.memory_space<hbm>>, %arg3: memref<320000xi32, #tpu.memory_space<hbm>>, %arg4: memref<320000xf32, #tpu.memory_space<hbm>>, %arg5: memref<10000xf32, #tpu.memory_space<vmem>>, %arg6: memref<10000xi32, #tpu.memory_space<vmem>>, %arg7: memref<10000xf32, #tpu.memory_space<vmem>>) attributes {dimension_semantics = [#tpu.dimension_semantics<core_parallel>, #tpu.dimension_semantics<subcore_parallel>], iteration_bounds = array<i64: 2, 16>, scalar_prefetch = 0 : i64, scratch_operands = 3 : i64, tpu.core_type = #tpu.core_type<sc_vector_subcore>, window_params = [{transform_indices = #map}, {transform_indices = #map}, {transform_indices = #map}]} {
    %mul3A = arith.constant 16 : i32
    %mul3A_0 = arith.muli %arg0, %mul3A : i32
    %add3A = arith.addi %mul3A_0, %arg1 : i32
    %mul3A_1 = arith.constant 10000 : i32
    %mul3A_2 = arith.muli %add3A, %mul3A_1 : i32
    "tpu.region"() ({
      %run_scoped3A = tpu.sem_alloc : memref<!tpu.dma_semaphore, #tpu.memory_space<semaphore_mem>>
      tpu.enqueue_dma source(%arg2 : memref<10000xf32, #tpu.memory_space<hbm>>) target(%arg5 : memref<10000xf32, #tpu.memory_space<vmem>>) target_semaphore(%run_scoped3A : memref<!tpu.dma_semaphore, #tpu.memory_space<semaphore_mem>>)
      tpu.wait_dma2 semaphore(%run_scoped3A : memref<!tpu.dma_semaphore, #tpu.memory_space<semaphore_mem>>) src(%arg2 : memref<10000xf32, #tpu.memory_space<hbm>>) dst(%arg5 : memref<10000xf32, #tpu.memory_space<vmem>>)
      tpu.yield
    }) : () -> ()
    "tpu.region"() ({
      %run_scoped3A = tpu.sem_alloc : memref<!tpu.dma_semaphore, #tpu.memory_space<semaphore_mem>>
      %dma_start3A = tpu.memref_slice %arg3[%mul3A_2] : memref<320000xi32, #tpu.memory_space<hbm>> -> memref<10000xi32, #tpu.memory_space<hbm>>
      %dma_start3A_8 = tpu.memref_slice %arg3[%mul3A_2] : memref<320000xi32, #tpu.memory_space<hbm>> -> memref<10000xi32, #tpu.memory_space<hbm>>
      tpu.enqueue_dma source(%dma_start3A_8 : memref<10000xi32, #tpu.memory_space<hbm>>) target(%arg6 : memref<10000xi32, #tpu.memory_space<vmem>>) target_semaphore(%run_scoped3A : memref<!tpu.dma_semaphore, #tpu.memory_space<semaphore_mem>>)
      %dma_wait3A = tpu.memref_slice %arg3[%mul3A_2] : memref<320000xi32, #tpu.memory_space<hbm>> -> memref<10000xi32, #tpu.memory_space<hbm>>
      %dma_wait3A_9 = tpu.memref_slice %arg3[%mul3A_2] : memref<320000xi32, #tpu.memory_space<hbm>> -> memref<10000xi32, #tpu.memory_space<hbm>>
      tpu.wait_dma2 semaphore(%run_scoped3A : memref<!tpu.dma_semaphore, #tpu.memory_space<semaphore_mem>>) src(%dma_wait3A_9 : memref<10000xi32, #tpu.memory_space<hbm>>) dst(%arg6 : memref<10000xi32, #tpu.memory_space<vmem>>)
      tpu.yield
    }) : () -> ()
    %scan3A = arith.constant 0 : i32
    %scan3A_3 = arith.constant 0 : i32
    %scan3A_4 = arith.constant 625 : i32
    %scan3A_5 = arith.addi %scan3A_3, %scan3A_4 : i32
    %scan3A_6 = arith.constant 1 : i32
    scf.for %scan3A_8 = %scan3A_3 to %scan3A_5 step %scan3A_6  : i32 {
      %mul3A_9 = arith.constant 16 : i32
      %mul3A_10 = arith.muli %scan3A_8, %mul3A_9 : i32
      %get3A = arith.index_cast %mul3A_10 : i32 to index
      %get3A_11 = tpu.vector_load %arg6[%get3A] {strides = array<i32>} : memref<10000xi32, #tpu.memory_space<vmem>>, vector<16xi32>,
      %gather3A = tpu.vector_load_idx %arg5[%get3A_11] : memref<10000xf32, #tpu.memory_space<vmem>>[vector<16xi32>], vector<16xf32>,
      %mul3A_12 = arith.constant 16 : i32
      %mul3A_13 = arith.muli %scan3A_8, %mul3A_12 : i32
      %swap3A = arith.index_cast %mul3A_13 : i32 to index
      %swap3A_14 = tpu.vector_load %arg7[%swap3A] {strides = array<i32>} : memref<10000xf32, #tpu.memory_space<vmem>>, vector<16xf32>,
      tpu.vector_store %arg7[%swap3A], %gather3A {strides = array<i32>} : memref<10000xf32, #tpu.memory_space<vmem>>, vector<16xf32>,
    }
    %scan3A_7 = arith.constant 625 : i32
    "tpu.region"() ({
      %run_scoped3A = tpu.sem_alloc : memref<!tpu.dma_semaphore, #tpu.memory_space<semaphore_mem>>
      %dma_start3A = tpu.memref_slice %arg4[%mul3A_2] : memref<320000xf32, #tpu.memory_space<hbm>> -> memref<10000xf32, #tpu.memory_space<hbm>>
      %dma_start3A_8 = tpu.memref_slice %arg4[%mul3A_2] : memref<320000xf32, #tpu.memory_space<hbm>> -> memref<10000xf32, #tpu.memory_space<hbm>>
      tpu.enqueue_dma source(%arg7 : memref<10000xf32, #tpu.memory_space<vmem>>) target(%dma_start3A_8 : memref<10000xf32, #tpu.memory_space<hbm>>) target_semaphore(%run_scoped3A : memref<!tpu.dma_semaphore, #tpu.memory_space<semaphore_mem>>)
      %dma_wait3A = tpu.memref_slice %arg4[%mul3A_2] : memref<320000xf32, #tpu.memory_space<hbm>> -> memref<10000xf32, #tpu.memory_space<hbm>>
      %dma_wait3A_9 = tpu.memref_slice %arg4[%mul3A_2] : memref<320000xf32, #tpu.memory_space<hbm>> -> memref<10000xf32, #tpu.memory_space<hbm>>
      tpu.wait_dma2 semaphore(%run_scoped3A : memref<!tpu.dma_semaphore, #tpu.memory_space<semaphore_mem>>) src(%arg7 : memref<10000xf32, #tpu.memory_space<vmem>>) dst(%dma_wait3A_9 : memref<10000xf32, #tpu.memory_space<hbm>>)
      tpu.yield
    }) : () -> ()
    return
  }
}

#map = affine_map<(d0, d1) -> (0, 0)>
#map1 = affine_map<(d0, d1) -> (0)>
module attributes {stable_mosaic.version = 14 : i64} {
  func.func @_segsum_body(%arg0: i32, %arg1: i32, %arg2: memref<320000x128xf32, #tpu.memory_space<hbm>>, %arg3: memref<320000xi32, #tpu.memory_space<hbm>>, %arg4: memref<20480x128xf32, #tpu.memory_space<hbm>>, %arg5: memref<2560x128xf32, #tpu.memory_space<hbm>>, %arg6: memref<10240x128xf32, #tpu.memory_space<vmem_shared>>, %arg7: memref<80x128xf32, #tpu.memory_space<vmem>>, %arg8: memref<80x128xf32, #tpu.memory_space<vmem>>, %arg9: memref<80xi32, #tpu.memory_space<vmem>>, %arg10: memref<80xi32, #tpu.memory_space<vmem>>, %arg11: memref<10032xi32, #tpu.memory_space<vmem>>, %arg12: memref<80x128xf32, #tpu.memory_space<vmem>>, %arg13: memref<80x128xf32, #tpu.memory_space<vmem>>, %arg14: memref<!tpu.dma_semaphore, #tpu.memory_space<semaphore_mem>>, %arg15: memref<!tpu.dma_semaphore, #tpu.memory_space<semaphore_mem>>, %arg16: memref<!tpu.dma_semaphore, #tpu.memory_space<semaphore_mem>>, %arg17: memref<!tpu.dma_semaphore, #tpu.memory_space<semaphore_mem>>) attributes {dimension_semantics = [#tpu.dimension_semantics<core_parallel>, #tpu.dimension_semantics<subcore_parallel>], iteration_bounds = array<i64: 2, 16>, scalar_prefetch = 0 : i64, scratch_operands = 12 : i64, tpu.core_type = #tpu.core_type<sc_vector_subcore>, window_params = [{transform_indices = #map}, {transform_indices = #map1}, {transform_indices = #map}, {transform_indices = #map}]} {
    %mul3A = arith.constant 16 : i32
    %mul3A_0 = arith.muli %arg0, %mul3A : i32
    %add3A = arith.addi %mul3A_0, %arg1 : i32
    %mul3A_1 = arith.constant 10000 : i32
    %mul3A_2 = arith.muli %add3A, %mul3A_1 : i32
    %mul3A_3 = arith.constant 640 : i32
    %mul3A_4 = arith.muli %arg1, %mul3A_3 : i32
    %broadcast_in_dim3A = arith.constant 0.000000e+00 : f32
    %broadcast_in_dim3A_5 = vector.broadcast %broadcast_in_dim3A : f32 to vector<16xf32>
    %scan3A = arith.constant 0 : i32
    %scan3A_6 = arith.constant 0 : i32
    %scan3A_7 = arith.constant 640 : i32
    %scan3A_8 = arith.addi %scan3A_6, %scan3A_7 : i32
    %scan3A_9 = arith.constant 1 : i32
    scf.for %scan3A_89 = %scan3A_6 to %scan3A_8 step %scan3A_9  : i32 {
      %shift_right_logical3A = arith.constant 3 : i32
      %shift_right_logical3A_90 = arith.shrui %scan3A_89, %shift_right_logical3A : i32
      %and3A = arith.constant 7 : i32
      %and3A_91 = arith.andi %scan3A_89, %and3A : i32
      %mul3A_92 = arith.constant 16 : i32
      %mul3A_93 = arith.muli %and3A_91, %mul3A_92 : i32
      %swap3A_94 = arith.index_cast %shift_right_logical3A_90 : i32 to index
      %swap3A_95 = arith.index_cast %mul3A_93 : i32 to index
      %swap3A_96 = tpu.vector_load %arg7[%swap3A_94, %swap3A_95] {strides = array<i32>} : memref<80x128xf32, #tpu.memory_space<vmem>>, vector<16xf32>,
      tpu.vector_store %arg7[%swap3A_94, %swap3A_95], %broadcast_in_dim3A_5 {strides = array<i32>} : memref<80x128xf32, #tpu.memory_space<vmem>>, vector<16xf32>,
      %swap3A_97 = arith.index_cast %shift_right_logical3A_90 : i32 to index
      %swap3A_98 = arith.index_cast %mul3A_93 : i32 to index
      %swap3A_99 = tpu.vector_load %arg12[%swap3A_97, %swap3A_98] {strides = array<i32>} : memref<80x128xf32, #tpu.memory_space<vmem>>, vector<16xf32>,
      tpu.vector_store %arg12[%swap3A_97, %swap3A_98], %broadcast_in_dim3A_5 {strides = array<i32>} : memref<80x128xf32, #tpu.memory_space<vmem>>, vector<16xf32>,
      %swap3A_100 = arith.index_cast %shift_right_logical3A_90 : i32 to index
      %swap3A_101 = arith.index_cast %mul3A_93 : i32 to index
      %swap3A_102 = tpu.vector_load %arg13[%swap3A_100, %swap3A_101] {strides = array<i32>} : memref<80x128xf32, #tpu.memory_space<vmem>>, vector<16xf32>,
      tpu.vector_store %arg13[%swap3A_100, %swap3A_101], %broadcast_in_dim3A_5 {strides = array<i32>} : memref<80x128xf32, #tpu.memory_space<vmem>>, vector<16xf32>,
    }
    %scan3A_10 = arith.constant 640 : i32
    %add3A_11 = arith.constant 0 : i32
    %add3A_12 = arith.addi %mul3A_4, %add3A_11 : i32
    "tpu.region"() ({
      %run_scoped3A = tpu.sem_alloc : memref<!tpu.dma_semaphore, #tpu.memory_space<semaphore_mem>>
      %dma_start3A = arith.constant 0 : i32
      %dma_start3A_89 = tpu.memref_slice %arg6[%add3A_12, %dma_start3A] : memref<10240x128xf32, #tpu.memory_space<vmem_shared>> -> memref<80x128xf32, #tpu.memory_space<vmem_shared>>
      %dma_start3A_90 = arith.constant 0 : i32
      %dma_start3A_91 = tpu.memref_slice %arg6[%add3A_12, %dma_start3A_90] : memref<10240x128xf32, #tpu.memory_space<vmem_shared>> -> memref<80x128xf32, #tpu.memory_space<vmem_shared>>
      tpu.enqueue_dma source(%arg7 : memref<80x128xf32, #tpu.memory_space<vmem>>) target(%dma_start3A_91 : memref<80x128xf32, #tpu.memory_space<vmem_shared>>) target_semaphore(%run_scoped3A : memref<!tpu.dma_semaphore, #tpu.memory_space<semaphore_mem>>)
      %dma_wait3A = arith.constant 0 : i32
      %dma_wait3A_92 = tpu.memref_slice %arg6[%add3A_12, %dma_wait3A] : memref<10240x128xf32, #tpu.memory_space<vmem_shared>> -> memref<80x128xf32, #tpu.memory_space<vmem_shared>>
      %dma_wait3A_93 = arith.constant 0 : i32
      %dma_wait3A_94 = tpu.memref_slice %arg6[%add3A_12, %dma_wait3A_93] : memref<10240x128xf32, #tpu.memory_space<vmem_shared>> -> memref<80x128xf32, #tpu.memory_space<vmem_shared>>
      tpu.wait_dma2 semaphore(%run_scoped3A : memref<!tpu.dma_semaphore, #tpu.memory_space<semaphore_mem>>) src(%arg7 : memref<80x128xf32, #tpu.memory_space<vmem>>) dst(%dma_wait3A_94 : memref<80x128xf32, #tpu.memory_space<vmem_shared>>)
      tpu.yield
    }) : () -> ()
    %add3A_13 = arith.constant 80 : i32
    %add3A_14 = arith.addi %mul3A_4, %add3A_13 : i32
    "tpu.region"() ({
      %run_scoped3A = tpu.sem_alloc : memref<!tpu.dma_semaphore, #tpu.memory_space<semaphore_mem>>
      %dma_start3A = arith.constant 0 : i32
      %dma_start3A_89 = tpu.memref_slice %arg6[%add3A_14, %dma_start3A] : memref<10240x128xf32, #tpu.memory_space<vmem_shared>> -> memref<80x128xf32, #tpu.memory_space<vmem_shared>>
      %dma_start3A_90 = arith.constant 0 : i32
      %dma_start3A_91 = tpu.memref_slice %arg6[%add3A_14, %dma_start3A_90] : memref<10240x128xf32, #tpu.memory_space<vmem_shared>> -> memref<80x128xf32, #tpu.memory_space<vmem_shared>>
      tpu.enqueue_dma source(%arg7 : memref<80x128xf32, #tpu.memory_space<vmem>>) target(%dma_start3A_91 : memref<80x128xf32, #tpu.memory_space<vmem_shared>>) target_semaphore(%run_scoped3A : memref<!tpu.dma_semaphore, #tpu.memory_space<semaphore_mem>>)
      %dma_wait3A = arith.constant 0 : i32
      %dma_wait3A_92 = tpu.memref_slice %arg6[%add3A_14, %dma_wait3A] : memref<10240x128xf32, #tpu.memory_space<vmem_shared>> -> memref<80x128xf32, #tpu.memory_space<vmem_shared>>
      %dma_wait3A_93 = arith.constant 0 : i32
      %dma_wait3A_94 = tpu.memref_slice %arg6[%add3A_14, %dma_wait3A_93] : memref<10240x128xf32, #tpu.memory_space<vmem_shared>> -> memref<80x128xf32, #tpu.memory_space<vmem_shared>>
      tpu.wait_dma2 semaphore(%run_scoped3A : memref<!tpu.dma_semaphore, #tpu.memory_space<semaphore_mem>>) src(%arg7 : memref<80x128xf32, #tpu.memory_space<vmem>>) dst(%dma_wait3A_94 : memref<80x128xf32, #tpu.memory_space<vmem_shared>>)
      tpu.yield
    }) : () -> ()
    %add3A_15 = arith.constant 160 : i32
    %add3A_16 = arith.addi %mul3A_4, %add3A_15 : i32
    "tpu.region"() ({
      %run_scoped3A = tpu.sem_alloc : memref<!tpu.dma_semaphore, #tpu.memory_space<semaphore_mem>>
      %dma_start3A = arith.constant 0 : i32
      %dma_start3A_89 = tpu.memref_slice %arg6[%add3A_16, %dma_start3A] : memref<10240x128xf32, #tpu.memory_space<vmem_shared>> -> memref<80x128xf32, #tpu.memory_space<vmem_shared>>
      %dma_start3A_90 = arith.constant 0 : i32
      %dma_start3A_91 = tpu.memref_slice %arg6[%add3A_16, %dma_start3A_90] : memref<10240x128xf32, #tpu.memory_space<vmem_shared>> -> memref<80x128xf32, #tpu.memory_space<vmem_shared>>
      tpu.enqueue_dma source(%arg7 : memref<80x128xf32, #tpu.memory_space<vmem>>) target(%dma_start3A_91 : memref<80x128xf32, #tpu.memory_space<vmem_shared>>) target_semaphore(%run_scoped3A : memref<!tpu.dma_semaphore, #tpu.memory_space<semaphore_mem>>)
      %dma_wait3A = arith.constant 0 : i32
      %dma_wait3A_92 = tpu.memref_slice %arg6[%add3A_16, %dma_wait3A] : memref<10240x128xf32, #tpu.memory_space<vmem_shared>> -> memref<80x128xf32, #tpu.memory_space<vmem_shared>>
      %dma_wait3A_93 = arith.constant 0 : i32
      %dma_wait3A_94 = tpu.memref_slice %arg6[%add3A_16, %dma_wait3A_93] : memref<10240x128xf32, #tpu.memory_space<vmem_shared>> -> memref<80x128xf32, #tpu.memory_space<vmem_shared>>
      tpu.wait_dma2 semaphore(%run_scoped3A : memref<!tpu.dma_semaphore, #tpu.memory_space<semaphore_mem>>) src(%arg7 : memref<80x128xf32, #tpu.memory_space<vmem>>) dst(%dma_wait3A_94 : memref<80x128xf32, #tpu.memory_space<vmem_shared>>)
      tpu.yield
    }) : () -> ()
    %add3A_17 = arith.constant 240 : i32
    %add3A_18 = arith.addi %mul3A_4, %add3A_17 : i32
    "tpu.region"() ({
      %run_scoped3A = tpu.sem_alloc : memref<!tpu.dma_semaphore, #tpu.memory_space<semaphore_mem>>
      %dma_start3A = arith.constant 0 : i32
      %dma_start3A_89 = tpu.memref_slice %arg6[%add3A_18, %dma_start3A] : memref<10240x128xf32, #tpu.memory_space<vmem_shared>> -> memref<80x128xf32, #tpu.memory_space<vmem_shared>>
      %dma_start3A_90 = arith.constant 0 : i32
      %dma_start3A_91 = tpu.memref_slice %arg6[%add3A_18, %dma_start3A_90] : memref<10240x128xf32, #tpu.memory_space<vmem_shared>> -> memref<80x128xf32, #tpu.memory_space<vmem_shared>>
      tpu.enqueue_dma source(%arg7 : memref<80x128xf32, #tpu.memory_space<vmem>>) target(%dma_start3A_91 : memref<80x128xf32, #tpu.memory_space<vmem_shared>>) target_semaphore(%run_scoped3A : memref<!tpu.dma_semaphore, #tpu.memory_space<semaphore_mem>>)
      %dma_wait3A = arith.constant 0 : i32
      %dma_wait3A_92 = tpu.memref_slice %arg6[%add3A_18, %dma_wait3A] : memref<10240x128xf32, #tpu.memory_space<vmem_shared>> -> memref<80x128xf32, #tpu.memory_space<vmem_shared>>
      %dma_wait3A_93 = arith.constant 0 : i32
      %dma_wait3A_94 = tpu.memref_slice %arg6[%add3A_18, %dma_wait3A_93] : memref<10240x128xf32, #tpu.memory_space<vmem_shared>> -> memref<80x128xf32, #tpu.memory_space<vmem_shared>>
      tpu.wait_dma2 semaphore(%run_scoped3A : memref<!tpu.dma_semaphore, #tpu.memory_space<semaphore_mem>>) src(%arg7 : memref<80x128xf32, #tpu.memory_space<vmem>>) dst(%dma_wait3A_94 : memref<80x128xf32, #tpu.memory_space<vmem_shared>>)
      tpu.yield
    }) : () -> ()
    %add3A_19 = arith.constant 320 : i32
    %add3A_20 = arith.addi %mul3A_4, %add3A_19 : i32
    "tpu.region"() ({
      %run_scoped3A = tpu.sem_alloc : memref<!tpu.dma_semaphore, #tpu.memory_space<semaphore_mem>>
      %dma_start3A = arith.constant 0 : i32
      %dma_start3A_89 = tpu.memref_slice %arg6[%add3A_20, %dma_start3A] : memref<10240x128xf32, #tpu.memory_space<vmem_shared>> -> memref<80x128xf32, #tpu.memory_space<vmem_shared>>
      %dma_start3A_90 = arith.constant 0 : i32
      %dma_start3A_91 = tpu.memref_slice %arg6[%add3A_20, %dma_start3A_90] : memref<10240x128xf32, #tpu.memory_space<vmem_shared>> -> memref<80x128xf32, #tpu.memory_space<vmem_shared>>
      tpu.enqueue_dma source(%arg7 : memref<80x128xf32, #tpu.memory_space<vmem>>) target(%dma_start3A_91 : memref<80x128xf32, #tpu.memory_space<vmem_shared>>) target_semaphore(%run_scoped3A : memref<!tpu.dma_semaphore, #tpu.memory_space<semaphore_mem>>)
      %dma_wait3A = arith.constant 0 : i32
      %dma_wait3A_92 = tpu.memref_slice %arg6[%add3A_20, %dma_wait3A] : memref<10240x128xf32, #tpu.memory_space<vmem_shared>> -> memref<80x128xf32, #tpu.memory_space<vmem_shared>>
      %dma_wait3A_93 = arith.constant 0 : i32
      %dma_wait3A_94 = tpu.memref_slice %arg6[%add3A_20, %dma_wait3A_93] : memref<10240x128xf32, #tpu.memory_space<vmem_shared>> -> memref<80x128xf32, #tpu.memory_space<vmem_shared>>
      tpu.wait_dma2 semaphore(%run_scoped3A : memref<!tpu.dma_semaphore, #tpu.memory_space<semaphore_mem>>) src(%arg7 : memref<80x128xf32, #tpu.memory_space<vmem>>) dst(%dma_wait3A_94 : memref<80x128xf32, #tpu.memory_space<vmem_shared>>)
      tpu.yield
    }) : () -> ()
    %add3A_21 = arith.constant 400 : i32
    %add3A_22 = arith.addi %mul3A_4, %add3A_21 : i32
    "tpu.region"() ({
      %run_scoped3A = tpu.sem_alloc : memref<!tpu.dma_semaphore, #tpu.memory_space<semaphore_mem>>
      %dma_start3A = arith.constant 0 : i32
      %dma_start3A_89 = tpu.memref_slice %arg6[%add3A_22, %dma_start3A] : memref<10240x128xf32, #tpu.memory_space<vmem_shared>> -> memref<80x128xf32, #tpu.memory_space<vmem_shared>>
      %dma_start3A_90 = arith.constant 0 : i32
      %dma_start3A_91 = tpu.memref_slice %arg6[%add3A_22, %dma_start3A_90] : memref<10240x128xf32, #tpu.memory_space<vmem_shared>> -> memref<80x128xf32, #tpu.memory_space<vmem_shared>>
      tpu.enqueue_dma source(%arg7 : memref<80x128xf32, #tpu.memory_space<vmem>>) target(%dma_start3A_91 : memref<80x128xf32, #tpu.memory_space<vmem_shared>>) target_semaphore(%run_scoped3A : memref<!tpu.dma_semaphore, #tpu.memory_space<semaphore_mem>>)
      %dma_wait3A = arith.constant 0 : i32
      %dma_wait3A_92 = tpu.memref_slice %arg6[%add3A_22, %dma_wait3A] : memref<10240x128xf32, #tpu.memory_space<vmem_shared>> -> memref<80x128xf32, #tpu.memory_space<vmem_shared>>
      %dma_wait3A_93 = arith.constant 0 : i32
      %dma_wait3A_94 = tpu.memref_slice %arg6[%add3A_22, %dma_wait3A_93] : memref<10240x128xf32, #tpu.memory_space<vmem_shared>> -> memref<80x128xf32, #tpu.memory_space<vmem_shared>>
      tpu.wait_dma2 semaphore(%run_scoped3A : memref<!tpu.dma_semaphore, #tpu.memory_space<semaphore_mem>>) src(%arg7 : memref<80x128xf32, #tpu.memory_space<vmem>>) dst(%dma_wait3A_94 : memref<80x128xf32, #tpu.memory_space<vmem_shared>>)
      tpu.yield
    }) : () -> ()
    %add3A_23 = arith.constant 480 : i32
    %add3A_24 = arith.addi %mul3A_4, %add3A_23 : i32
    "tpu.region"() ({
      %run_scoped3A = tpu.sem_alloc : memref<!tpu.dma_semaphore, #tpu.memory_space<semaphore_mem>>
      %dma_start3A = arith.constant 0 : i32
      %dma_start3A_89 = tpu.memref_slice %arg6[%add3A_24, %dma_start3A] : memref<10240x128xf32, #tpu.memory_space<vmem_shared>> -> memref<80x128xf32, #tpu.memory_space<vmem_shared>>
      %dma_start3A_90 = arith.constant 0 : i32
      %dma_start3A_91 = tpu.memref_slice %arg6[%add3A_24, %dma_start3A_90] : memref<10240x128xf32, #tpu.memory_space<vmem_shared>> -> memref<80x128xf32, #tpu.memory_space<vmem_shared>>
      tpu.enqueue_dma source(%arg7 : memref<80x128xf32, #tpu.memory_space<vmem>>) target(%dma_start3A_91 : memref<80x128xf32, #tpu.memory_space<vmem_shared>>) target_semaphore(%run_scoped3A : memref<!tpu.dma_semaphore, #tpu.memory_space<semaphore_mem>>)
      %dma_wait3A = arith.constant 0 : i32
      %dma_wait3A_92 = tpu.memref_slice %arg6[%add3A_24, %dma_wait3A] : memref<10240x128xf32, #tpu.memory_space<vmem_shared>> -> memref<80x128xf32, #tpu.memory_space<vmem_shared>>
      %dma_wait3A_93 = arith.constant 0 : i32
      %dma_wait3A_94 = tpu.memref_slice %arg6[%add3A_24, %dma_wait3A_93] : memref<10240x128xf32, #tpu.memory_space<vmem_shared>> -> memref<80x128xf32, #tpu.memory_space<vmem_shared>>
      tpu.wait_dma2 semaphore(%run_scoped3A : memref<!tpu.dma_semaphore, #tpu.memory_space<semaphore_mem>>) src(%arg7 : memref<80x128xf32, #tpu.memory_space<vmem>>) dst(%dma_wait3A_94 : memref<80x128xf32, #tpu.memory_space<vmem_shared>>)
      tpu.yield
    }) : () -> ()
    %add3A_25 = arith.constant 560 : i32
    %add3A_26 = arith.addi %mul3A_4, %add3A_25 : i32
    "tpu.region"() ({
      %run_scoped3A = tpu.sem_alloc : memref<!tpu.dma_semaphore, #tpu.memory_space<semaphore_mem>>
      %dma_start3A = arith.constant 0 : i32
      %dma_start3A_89 = tpu.memref_slice %arg6[%add3A_26, %dma_start3A] : memref<10240x128xf32, #tpu.memory_space<vmem_shared>> -> memref<80x128xf32, #tpu.memory_space<vmem_shared>>
      %dma_start3A_90 = arith.constant 0 : i32
      %dma_start3A_91 = tpu.memref_slice %arg6[%add3A_26, %dma_start3A_90] : memref<10240x128xf32, #tpu.memory_space<vmem_shared>> -> memref<80x128xf32, #tpu.memory_space<vmem_shared>>
      tpu.enqueue_dma source(%arg7 : memref<80x128xf32, #tpu.memory_space<vmem>>) target(%dma_start3A_91 : memref<80x128xf32, #tpu.memory_space<vmem_shared>>) target_semaphore(%run_scoped3A : memref<!tpu.dma_semaphore, #tpu.memory_space<semaphore_mem>>)
      %dma_wait3A = arith.constant 0 : i32
      %dma_wait3A_92 = tpu.memref_slice %arg6[%add3A_26, %dma_wait3A] : memref<10240x128xf32, #tpu.memory_space<vmem_shared>> -> memref<80x128xf32, #tpu.memory_space<vmem_shared>>
      %dma_wait3A_93 = arith.constant 0 : i32
      %dma_wait3A_94 = tpu.memref_slice %arg6[%add3A_26, %dma_wait3A_93] : memref<10240x128xf32, #tpu.memory_space<vmem_shared>> -> memref<80x128xf32, #tpu.memory_space<vmem_shared>>
      tpu.wait_dma2 semaphore(%run_scoped3A : memref<!tpu.dma_semaphore, #tpu.memory_space<semaphore_mem>>) src(%arg7 : memref<80x128xf32, #tpu.memory_space<vmem>>) dst(%dma_wait3A_94 : memref<80x128xf32, #tpu.memory_space<vmem_shared>>)
      tpu.yield
    }) : () -> ()
    %barrier3A = arith.constant 0 : index
    tpu.barrier barrier_id(%barrier3A)
    "tpu.region"() ({
      %run_scoped3A = tpu.sem_alloc : memref<!tpu.dma_semaphore, #tpu.memory_space<semaphore_mem>>
      %dma_start3A = arith.constant 16 : i32
      %dma_start3A_89 = tpu.memref_slice %arg11[%dma_start3A] : memref<10032xi32, #tpu.memory_space<vmem>> -> memref<10000xi32, #tpu.memory_space<vmem>>
      %dma_start3A_90 = tpu.memref_slice %arg3[%mul3A_2] : memref<320000xi32, #tpu.memory_space<hbm>> -> memref<10000xi32, #tpu.memory_space<hbm>>
      %dma_start3A_91 = arith.constant 16 : i32
      %dma_start3A_92 = tpu.memref_slice %arg11[%dma_start3A_91] : memref<10032xi32, #tpu.memory_space<vmem>> -> memref<10000xi32, #tpu.memory_space<vmem>>
      %dma_start3A_93 = tpu.memref_slice %arg3[%mul3A_2] : memref<320000xi32, #tpu.memory_space<hbm>> -> memref<10000xi32, #tpu.memory_space<hbm>>
      tpu.enqueue_dma source(%dma_start3A_93 : memref<10000xi32, #tpu.memory_space<hbm>>) target(%dma_start3A_92 : memref<10000xi32, #tpu.memory_space<vmem>>) target_semaphore(%run_scoped3A : memref<!tpu.dma_semaphore, #tpu.memory_space<semaphore_mem>>)
      %dma_wait3A = arith.constant 16 : i32
      %dma_wait3A_94 = tpu.memref_slice %arg11[%dma_wait3A] : memref<10032xi32, #tpu.memory_space<vmem>> -> memref<10000xi32, #tpu.memory_space<vmem>>
      %dma_wait3A_95 = tpu.memref_slice %arg3[%mul3A_2] : memref<320000xi32, #tpu.memory_space<hbm>> -> memref<10000xi32, #tpu.memory_space<hbm>>
      %dma_wait3A_96 = arith.constant 16 : i32
      %dma_wait3A_97 = tpu.memref_slice %arg11[%dma_wait3A_96] : memref<10032xi32, #tpu.memory_space<vmem>> -> memref<10000xi32, #tpu.memory_space<vmem>>
      %dma_wait3A_98 = tpu.memref_slice %arg3[%mul3A_2] : memref<320000xi32, #tpu.memory_space<hbm>> -> memref<10000xi32, #tpu.memory_space<hbm>>
      tpu.wait_dma2 semaphore(%run_scoped3A : memref<!tpu.dma_semaphore, #tpu.memory_space<semaphore_mem>>) src(%dma_wait3A_98 : memref<10000xi32, #tpu.memory_space<hbm>>) dst(%dma_wait3A_97 : memref<10000xi32, #tpu.memory_space<vmem>>)
      tpu.yield
    }) : () -> ()
    %broadcast_in_dim3A_27 = arith.constant -1 : i32
    %broadcast_in_dim3A_28 = vector.broadcast %broadcast_in_dim3A_27 : i32 to vector<16xi32>
    %broadcast_in_dim3A_29 = arith.constant 1073741824 : i32
    %broadcast_in_dim3A_30 = vector.broadcast %broadcast_in_dim3A_29 : i32 to vector<16xi32>
    %swap3A = arith.constant 0 : index
    %swap3A_31 = tpu.vector_load %arg11[%swap3A] {strides = array<i32>} : memref<10032xi32, #tpu.memory_space<vmem>>, vector<16xi32>,
    tpu.vector_store %arg11[%swap3A], %broadcast_in_dim3A_28 {strides = array<i32>} : memref<10032xi32, #tpu.memory_space<vmem>>, vector<16xi32>,
    %swap3A_32 = arith.constant 10016 : index
    %swap3A_33 = tpu.vector_load %arg11[%swap3A_32] {strides = array<i32>} : memref<10032xi32, #tpu.memory_space<vmem>>, vector<16xi32>,
    tpu.vector_store %arg11[%swap3A_32], %broadcast_in_dim3A_30 {strides = array<i32>} : memref<10032xi32, #tpu.memory_space<vmem>>, vector<16xi32>,
    %iota3A = tpu.iota {dimensions = array<i32: 0>} : vector<16xi32>
    %scan3A_34 = arith.constant 0 : i32
    %scan3A_35 = arith.constant 0 : i32
    %scan3A_36 = arith.constant 625 : i32
    %scan3A_37 = arith.addi %scan3A_35, %scan3A_36 : i32
    %scan3A_38 = arith.constant 1 : i32
    scf.for %scan3A_89 = %scan3A_35 to %scan3A_37 step %scan3A_38  : i32 {
      %mul3A_90 = arith.constant 16 : i32
      %mul3A_91 = arith.muli %scan3A_89, %mul3A_90 : i32
      %add3A_92 = arith.constant 16 : i32
      %add3A_93 = arith.addi %add3A_92, %mul3A_91 : i32
      %get3A = arith.index_cast %add3A_93 : i32 to index
      %get3A_94 = tpu.vector_load %arg11[%get3A] {strides = array<i32>} : memref<10032xi32, #tpu.memory_space<vmem>>, vector<16xi32>,
      %add3A_95 = arith.constant 17 : i32
      %add3A_96 = arith.addi %add3A_95, %mul3A_91 : i32
      %get3A_97 = arith.index_cast %add3A_96 : i32 to index
      %get3A_98 = tpu.vector_load %arg11[%get3A_97] {strides = array<i32>} : memref<10032xi32, #tpu.memory_space<vmem>>, vector<16xi32>,
      %add3A_99 = arith.constant 15 : i32
      %add3A_100 = arith.addi %add3A_99, %mul3A_91 : i32
      %get3A_101 = arith.index_cast %add3A_100 : i32 to index
      %get3A_102 = tpu.vector_load %arg11[%get3A_101] {strides = array<i32>} : memref<10032xi32, #tpu.memory_space<vmem>>, vector<16xi32>,
      %add3A_103 = vector.broadcast %mul3A_91 : i32 to vector<16xi32>
      %add3A_104 = arith.addi %iota3A, %add3A_103 : vector<16xi32>
      %shift_right_logical3A = arith.constant 7 : i32
      %shift_right_logical3A_105 = vector.broadcast %shift_right_logical3A : i32 to vector<16xi32>
      %shift_right_logical3A_106 = arith.shrui %get3A_94, %shift_right_logical3A_105 : vector<16xi32>
      %and3A = arith.constant 127 : i32
      %and3A_107 = vector.broadcast %and3A : i32 to vector<16xi32>
      %and3A_108 = arith.andi %get3A_94, %and3A_107 : vector<16xi32>
      %add3A_109 = arith.constant 1 : i32
      %add3A_110 = vector.broadcast %add3A_109 : i32 to vector<16xi32>
      %add3A_111 = arith.addi %add3A_104, %add3A_110 : vector<16xi32>
      %convert_element_type3A = arith.sitofp %add3A_111 : vector<16xi32> to vector<16xf32>
      %ne3A = arith.cmpi ne, %get3A_94, %get3A_98 : vector<16xi32>
      tpu.vector_store_idx %arg12[%shift_right_logical3A_106, %and3A_108], %convert_element_type3A masked %ne3A : memref<80x128xf32, #tpu.memory_space<vmem>>[vector<16xi32>, vector<16xi32>], vector<16xf32>, vector<16xi1>
      %convert_element_type3A_112 = arith.sitofp %add3A_104 : vector<16xi32> to vector<16xf32>
      %ne3A_113 = arith.cmpi ne, %get3A_94, %get3A_102 : vector<16xi32>
      tpu.vector_store_idx %arg13[%shift_right_logical3A_106, %and3A_108], %convert_element_type3A_112 masked %ne3A_113 : memref<80x128xf32, #tpu.memory_space<vmem>>[vector<16xi32>, vector<16xi32>], vector<16xf32>, vector<16xi1>
    }
    %scan3A_39 = arith.constant 625 : i32
    %scan3A_40 = arith.constant 0 : i32
    %scan3A_41 = arith.constant 0 : i32
    %scan3A_42 = arith.constant 640 : i32
    %scan3A_43 = arith.addi %scan3A_41, %scan3A_42 : i32
    %scan3A_44 = arith.constant 1 : i32
    scf.for %scan3A_89 = %scan3A_41 to %scan3A_43 step %scan3A_44  : i32 {
      %shift_right_logical3A = arith.constant 3 : i32
      %shift_right_logical3A_90 = arith.shrui %scan3A_89, %shift_right_logical3A : i32
      %and3A = arith.constant 7 : i32
      %and3A_91 = arith.andi %scan3A_89, %and3A : i32
      %mul3A_92 = arith.constant 16 : i32
      %mul3A_93 = arith.muli %and3A_91, %mul3A_92 : i32
      %get3A = arith.index_cast %shift_right_logical3A_90 : i32 to index
      %get3A_94 = arith.index_cast %mul3A_93 : i32 to index
      %get3A_95 = tpu.vector_load %arg12[%get3A, %get3A_94] {strides = array<i32>} : memref<80x128xf32, #tpu.memory_space<vmem>>, vector<16xf32>,
      %get3A_96 = arith.index_cast %shift_right_logical3A_90 : i32 to index
      %get3A_97 = arith.index_cast %mul3A_93 : i32 to index
      %get3A_98 = tpu.vector_load %arg13[%get3A_96, %get3A_97] {strides = array<i32>} : memref<80x128xf32, #tpu.memory_space<vmem>>, vector<16xf32>,
      %sub3A = arith.subf %get3A_95, %get3A_98 : vector<16xf32>
      %swap3A_99 = arith.index_cast %shift_right_logical3A_90 : i32 to index
      %swap3A_100 = arith.index_cast %mul3A_93 : i32 to index
      %swap3A_101 = tpu.vector_load %arg12[%swap3A_99, %swap3A_100] {strides = array<i32>} : memref<80x128xf32, #tpu.memory_space<vmem>>, vector<16xf32>,
      tpu.vector_store %arg12[%swap3A_99, %swap3A_100], %sub3A {strides = array<i32>} : memref<80x128xf32, #tpu.memory_space<vmem>>, vector<16xf32>,
    }
    %scan3A_45 = arith.constant 640 : i32
    %mul3A_46 = arith.constant 80 : i32
    %mul3A_47 = arith.muli %add3A, %mul3A_46 : i32
    "tpu.region"() ({
      %run_scoped3A = tpu.sem_alloc : memref<!tpu.dma_semaphore, #tpu.memory_space<semaphore_mem>>
      %dma_start3A = arith.constant 0 : i32
      %dma_start3A_89 = tpu.memref_slice %arg5[%mul3A_47, %dma_start3A] : memref<2560x128xf32, #tpu.memory_space<hbm>> -> memref<80x128xf32, #tpu.memory_space<hbm>>
      %dma_start3A_90 = arith.constant 0 : i32
      %dma_start3A_91 = tpu.memref_slice %arg5[%mul3A_47, %dma_start3A_90] : memref<2560x128xf32, #tpu.memory_space<hbm>> -> memref<80x128xf32, #tpu.memory_space<hbm>>
      tpu.enqueue_dma source(%arg12 : memref<80x128xf32, #tpu.memory_space<vmem>>) target(%dma_start3A_91 : memref<80x128xf32, #tpu.memory_space<hbm>>) target_semaphore(%run_scoped3A : memref<!tpu.dma_semaphore, #tpu.memory_space<semaphore_mem>>)
      %dma_wait3A = arith.constant 0 : i32
      %dma_wait3A_92 = tpu.memref_slice %arg5[%mul3A_47, %dma_wait3A] : memref<2560x128xf32, #tpu.memory_space<hbm>> -> memref<80x128xf32, #tpu.memory_space<hbm>>
      %dma_wait3A_93 = arith.constant 0 : i32
      %dma_wait3A_94 = tpu.memref_slice %arg5[%mul3A_47, %dma_wait3A_93] : memref<2560x128xf32, #tpu.memory_space<hbm>> -> memref<80x128xf32, #tpu.memory_space<hbm>>
      tpu.wait_dma2 semaphore(%run_scoped3A : memref<!tpu.dma_semaphore, #tpu.memory_space<semaphore_mem>>) src(%arg12 : memref<80x128xf32, #tpu.memory_space<vmem>>) dst(%dma_wait3A_94 : memref<80x128xf32, #tpu.memory_space<hbm>>)
      tpu.yield
    }) : () -> ()
    %scan3A_48 = arith.constant 0 : i32
    %scan3A_49 = arith.constant 125 : i32
    %scan3A_50 = arith.addi %scan3A_48, %scan3A_49 : i32
    %scan3A_51 = arith.constant 1 : i32
    scf.for %scan3A_89 = %scan3A_48 to %scan3A_50 step %scan3A_51  : i32 {
      %mul3A_90 = arith.constant 1 : i32
      %mul3A_91 = arith.muli %scan3A_89, %mul3A_90 : i32
      %add3A_92 = arith.constant 0 : i32
      %add3A_93 = arith.addi %add3A_92, %mul3A_91 : i32
      %mul3A_94 = arith.constant 80 : i32
      %mul3A_95 = arith.muli %add3A_93, %mul3A_94 : i32
      %add3A_96 = arith.addi %mul3A_2, %mul3A_95 : i32
      "tpu.region"() ({
        %run_scoped3A = tpu.sem_alloc : memref<!tpu.dma_semaphore, #tpu.memory_space<semaphore_mem>>
        %dma_start3A = arith.constant 0 : i32
        %dma_start3A_146 = tpu.memref_slice %arg2[%add3A_96, %dma_start3A] : memref<320000x128xf32, #tpu.memory_space<hbm>> -> memref<80x128xf32, #tpu.memory_space<hbm>>
        %dma_start3A_147 = arith.constant 0 : i32
        %dma_start3A_148 = tpu.memref_slice %arg2[%add3A_96, %dma_start3A_147] : memref<320000x128xf32, #tpu.memory_space<hbm>> -> memref<80x128xf32, #tpu.memory_space<hbm>>
        tpu.enqueue_dma source(%dma_start3A_148 : memref<80x128xf32, #tpu.memory_space<hbm>>) target(%arg7 : memref<80x128xf32, #tpu.memory_space<vmem>>) target_semaphore(%run_scoped3A : memref<!tpu.dma_semaphore, #tpu.memory_space<semaphore_mem>>)
        %dma_wait3A = arith.constant 0 : i32
        %dma_wait3A_149 = tpu.memref_slice %arg2[%add3A_96, %dma_wait3A] : memref<320000x128xf32, #tpu.memory_space<hbm>> -> memref<80x128xf32, #tpu.memory_space<hbm>>
        %dma_wait3A_150 = arith.constant 0 : i32
        %dma_wait3A_151 = tpu.memref_slice %arg2[%add3A_96, %dma_wait3A_150] : memref<320000x128xf32, #tpu.memory_space<hbm>> -> memref<80x128xf32, #tpu.memory_space<hbm>>
        tpu.wait_dma2 semaphore(%run_scoped3A : memref<!tpu.dma_semaphore, #tpu.memory_space<semaphore_mem>>) src(%dma_wait3A_151 : memref<80x128xf32, #tpu.memory_space<hbm>>) dst(%arg7 : memref<80x128xf32, #tpu.memory_space<vmem>>)
        tpu.yield
      }) : () -> ()
      %mul3A_97 = arith.constant 80 : i32
      %mul3A_98 = arith.muli %add3A_93, %mul3A_97 : i32
      %add3A_99 = arith.constant 16 : i32
      %add3A_100 = arith.addi %add3A_99, %mul3A_98 : i32
      %add3A_101 = arith.constant 0 : i32
      %add3A_102 = arith.addi %add3A_100, %add3A_101 : i32
      %get3A = arith.index_cast %add3A_102 : i32 to index
      %get3A_103 = tpu.vector_load %arg11[%get3A] {strides = array<i32>} : memref<10032xi32, #tpu.memory_space<vmem>>, vector<16xi32>,
      %swap3A_104 = arith.constant 0 : index
      %swap3A_105 = tpu.vector_load %arg9[%swap3A_104] {strides = array<i32>} : memref<80xi32, #tpu.memory_space<vmem>>, vector<16xi32>,
      tpu.vector_store %arg9[%swap3A_104], %get3A_103 {strides = array<i32>} : memref<80xi32, #tpu.memory_space<vmem>>, vector<16xi32>,
      %mul3A_106 = arith.constant 80 : i32
      %mul3A_107 = arith.muli %add3A_93, %mul3A_106 : i32
      %add3A_108 = arith.constant 16 : i32
      %add3A_109 = arith.addi %add3A_108, %mul3A_107 : i32
      %add3A_110 = arith.constant 16 : i32
      %add3A_111 = arith.addi %add3A_109, %add3A_110 : i32
      %get3A_112 = arith.index_cast %add3A_111 : i32 to index
      %get3A_113 = tpu.vector_load %arg11[%get3A_112] {strides = array<i32>} : memref<10032xi32, #tpu.memory_space<vmem>>, vector<16xi32>,
      %swap3A_114 = arith.constant 16 : index
      %swap3A_115 = tpu.vector_load %arg9[%swap3A_114] {strides = array<i32>} : memref<80xi32, #tpu.memory_space<vmem>>, vector<16xi32>,
      tpu.vector_store %arg9[%swap3A_114], %get3A_113 {strides = array<i32>} : memref<80xi32, #tpu.memory_space<vmem>>, vector<16xi32>,
      %mul3A_116 = arith.constant 80 : i32
      %mul3A_117 = arith.muli %add3A_93, %mul3A_116 : i32
      %add3A_118 = arith.constant 16 : i32
      %add3A_119 = arith.addi %add3A_118, %mul3A_117 : i32
      %add3A_120 = arith.constant 32 : i32
      %add3A_121 = arith.addi %add3A_119, %add3A_120 : i32
      %get3A_122 = arith.index_cast %add3A_121 : i32 to index
      %get3A_123 = tpu.vector_load %arg11[%get3A_122] {strides = array<i32>} : memref<10032xi32, #tpu.memory_space<vmem>>, vector<16xi32>,
      %swap3A_124 = arith.constant 32 : index
      %swap3A_125 = tpu.vector_load %arg9[%swap3A_124] {strides = array<i32>} : memref<80xi32, #tpu.memory_space<vmem>>, vector<16xi32>,
      tpu.vector_store %arg9[%swap3A_124], %get3A_123 {strides = array<i32>} : memref<80xi32, #tpu.memory_space<vmem>>, vector<16xi32>,
      %mul3A_126 = arith.constant 80 : i32
      %mul3A_127 = arith.muli %add3A_93, %mul3A_126 : i32
      %add3A_128 = arith.constant 16 : i32
      %add3A_129 = arith.addi %add3A_128, %mul3A_127 : i32
      %add3A_130 = arith.constant 48 : i32
      %add3A_131 = arith.addi %add3A_129, %add3A_130 : i32
      %get3A_132 = arith.index_cast %add3A_131 : i32 to index
      %get3A_133 = tpu.vector_load %arg11[%get3A_132] {strides = array<i32>} : memref<10032xi32, #tpu.memory_space<vmem>>, vector<16xi32>,
      %swap3A_134 = arith.constant 48 : index
      %swap3A_135 = tpu.vector_load %arg9[%swap3A_134] {strides = array<i32>} : memref<80xi32, #tpu.memory_space<vmem>>, vector<16xi32>,
      tpu.vector_store %arg9[%swap3A_134], %get3A_133 {strides = array<i32>} : memref<80xi32, #tpu.memory_space<vmem>>, vector<16xi32>,
      %mul3A_136 = arith.constant 80 : i32
      %mul3A_137 = arith.muli %add3A_93, %mul3A_136 : i32
      %add3A_138 = arith.constant 16 : i32
      %add3A_139 = arith.addi %add3A_138, %mul3A_137 : i32
      %add3A_140 = arith.constant 64 : i32
      %add3A_141 = arith.addi %add3A_139, %add3A_140 : i32
      %get3A_142 = arith.index_cast %add3A_141 : i32 to index
      %get3A_143 = tpu.vector_load %arg11[%get3A_142] {strides = array<i32>} : memref<10032xi32, #tpu.memory_space<vmem>>, vector<16xi32>,
      %swap3A_144 = arith.constant 64 : index
      %swap3A_145 = tpu.vector_load %arg9[%swap3A_144] {strides = array<i32>} : memref<80xi32, #tpu.memory_space<vmem>>, vector<16xi32>,
      tpu.vector_store %arg9[%swap3A_144], %get3A_143 {strides = array<i32>} : memref<80xi32, #tpu.memory_space<vmem>>, vector<16xi32>,
      "tpu.region"() ({
        %run_scoped3A = tpu.sem_alloc : memref<!tpu.dma_semaphore, #tpu.memory_space<semaphore_mem>>
        %dma_start3A = arith.constant 0 : i32
        %dma_start3A_146 = arith.constant 0 : i32
        %dma_start3A_147 = tpu.memref_slice %arg6[%dma_start3A, %dma_start3A_146] : memref<10240x128xf32, #tpu.memory_space<vmem_shared>> -> memref<10240x128xf32, #tpu.memory_space<vmem_shared>>
        tpu.enqueue_indirect_dma source(%arg7 : memref<80x128xf32, #tpu.memory_space<vmem>>) target(%dma_start3A_147 : memref<10240x128xf32, #tpu.memory_space<vmem_shared>>) offsets(%arg9 : memref<80xi32, #tpu.memory_space<vmem>>) semaphore(%run_scoped3A : memref<!tpu.dma_semaphore, #tpu.memory_space<semaphore_mem>>) {add = true}
        %dma_wait3A = arith.constant 0 : i32
        %dma_wait3A_148 = arith.constant 0 : i32
        %dma_wait3A_149 = tpu.memref_slice %arg6[%dma_wait3A, %dma_wait3A_148] : memref<10240x128xf32, #tpu.memory_space<vmem_shared>> -> memref<10240x128xf32, #tpu.memory_space<vmem_shared>>
        tpu.wait_indirect_dma semaphore(%run_scoped3A : memref<!tpu.dma_semaphore, #tpu.memory_space<semaphore_mem>>) src(%arg7 : memref<80x128xf32, #tpu.memory_space<vmem>>) dst(%dma_wait3A_149 : memref<10240x128xf32, #tpu.memory_space<vmem_shared>>)
        tpu.yield
      }) : () -> ()
    }
    %scan3A_52 = arith.constant 125 : i32
    %barrier3A_53 = arith.constant 0 : index
    tpu.barrier barrier_id(%barrier3A_53)
    %mul3A_54 = arith.constant 10240 : i32
    %mul3A_55 = arith.muli %arg0, %mul3A_54 : i32
    %add3A_56 = arith.addi %mul3A_55, %mul3A_4 : i32
    %add3A_57 = arith.constant 0 : i32
    %add3A_58 = arith.addi %mul3A_4, %add3A_57 : i32
    "tpu.region"() ({
      %run_scoped3A = tpu.sem_alloc : memref<!tpu.dma_semaphore, #tpu.memory_space<semaphore_mem>>
      %dma_start3A = arith.constant 0 : i32
      %dma_start3A_89 = tpu.memref_slice %arg6[%add3A_58, %dma_start3A] : memref<10240x128xf32, #tpu.memory_space<vmem_shared>> -> memref<80x128xf32, #tpu.memory_space<vmem_shared>>
      %dma_start3A_90 = arith.constant 0 : i32
      %dma_start3A_91 = tpu.memref_slice %arg6[%add3A_58, %dma_start3A_90] : memref<10240x128xf32, #tpu.memory_space<vmem_shared>> -> memref<80x128xf32, #tpu.memory_space<vmem_shared>>
      tpu.enqueue_dma source(%dma_start3A_91 : memref<80x128xf32, #tpu.memory_space<vmem_shared>>) target(%arg7 : memref<80x128xf32, #tpu.memory_space<vmem>>) target_semaphore(%run_scoped3A : memref<!tpu.dma_semaphore, #tpu.memory_space<semaphore_mem>>)
      %dma_wait3A = arith.constant 0 : i32
      %dma_wait3A_92 = tpu.memref_slice %arg6[%add3A_58, %dma_wait3A] : memref<10240x128xf32, #tpu.memory_space<vmem_shared>> -> memref<80x128xf32, #tpu.memory_space<vmem_shared>>
      %dma_wait3A_93 = arith.constant 0 : i32
      %dma_wait3A_94 = tpu.memref_slice %arg6[%add3A_58, %dma_wait3A_93] : memref<10240x128xf32, #tpu.memory_space<vmem_shared>> -> memref<80x128xf32, #tpu.memory_space<vmem_shared>>
      tpu.wait_dma2 semaphore(%run_scoped3A : memref<!tpu.dma_semaphore, #tpu.memory_space<semaphore_mem>>) src(%dma_wait3A_94 : memref<80x128xf32, #tpu.memory_space<vmem_shared>>) dst(%arg7 : memref<80x128xf32, #tpu.memory_space<vmem>>)
      tpu.yield
    }) : () -> ()
    %add3A_59 = arith.constant 0 : i32
    %add3A_60 = arith.addi %add3A_56, %add3A_59 : i32
    "tpu.region"() ({
      %run_scoped3A = tpu.sem_alloc : memref<!tpu.dma_semaphore, #tpu.memory_space<semaphore_mem>>
      %dma_start3A = arith.constant 0 : i32
      %dma_start3A_89 = tpu.memref_slice %arg4[%add3A_60, %dma_start3A] : memref<20480x128xf32, #tpu.memory_space<hbm>> -> memref<80x128xf32, #tpu.memory_space<hbm>>
      %dma_start3A_90 = arith.constant 0 : i32
      %dma_start3A_91 = tpu.memref_slice %arg4[%add3A_60, %dma_start3A_90] : memref<20480x128xf32, #tpu.memory_space<hbm>> -> memref<80x128xf32, #tpu.memory_space<hbm>>
      tpu.enqueue_dma source(%arg7 : memref<80x128xf32, #tpu.memory_space<vmem>>) target(%dma_start3A_91 : memref<80x128xf32, #tpu.memory_space<hbm>>) target_semaphore(%run_scoped3A : memref<!tpu.dma_semaphore, #tpu.memory_space<semaphore_mem>>)
      %dma_wait3A = arith.constant 0 : i32
      %dma_wait3A_92 = tpu.memref_slice %arg4[%add3A_60, %dma_wait3A] : memref<20480x128xf32, #tpu.memory_space<hbm>> -> memref<80x128xf32, #tpu.memory_space<hbm>>
      %dma_wait3A_93 = arith.constant 0 : i32
      %dma_wait3A_94 = tpu.memref_slice %arg4[%add3A_60, %dma_wait3A_93] : memref<20480x128xf32, #tpu.memory_space<hbm>> -> memref<80x128xf32, #tpu.memory_space<hbm>>
      tpu.wait_dma2 semaphore(%run_scoped3A : memref<!tpu.dma_semaphore, #tpu.memory_space<semaphore_mem>>) src(%arg7 : memref<80x128xf32, #tpu.memory_space<vmem>>) dst(%dma_wait3A_94 : memref<80x128xf32, #tpu.memory_space<hbm>>)
      tpu.yield
    }) : () -> ()
    %add3A_61 = arith.constant 80 : i32
    %add3A_62 = arith.addi %mul3A_4, %add3A_61 : i32
    "tpu.region"() ({
      %run_scoped3A = tpu.sem_alloc : memref<!tpu.dma_semaphore, #tpu.memory_space<semaphore_mem>>
      %dma_start3A = arith.constant 0 : i32
      %dma_start3A_89 = tpu.memref_slice %arg6[%add3A_62, %dma_start3A] : memref<10240x128xf32, #tpu.memory_space<vmem_shared>> -> memref<80x128xf32, #tpu.memory_space<vmem_shared>>
      %dma_start3A_90 = arith.constant 0 : i32
      %dma_start3A_91 = tpu.memref_slice %arg6[%add3A_62, %dma_start3A_90] : memref<10240x128xf32, #tpu.memory_space<vmem_shared>> -> memref<80x128xf32, #tpu.memory_space<vmem_shared>>
      tpu.enqueue_dma source(%dma_start3A_91 : memref<80x128xf32, #tpu.memory_space<vmem_shared>>) target(%arg7 : memref<80x128xf32, #tpu.memory_space<vmem>>) target_semaphore(%run_scoped3A : memref<!tpu.dma_semaphore, #tpu.memory_space<semaphore_mem>>)
      %dma_wait3A = arith.constant 0 : i32
      %dma_wait3A_92 = tpu.memref_slice %arg6[%add3A_62, %dma_wait3A] : memref<10240x128xf32, #tpu.memory_space<vmem_shared>> -> memref<80x128xf32, #tpu.memory_space<vmem_shared>>
      %dma_wait3A_93 = arith.constant 0 : i32
      %dma_wait3A_94 = tpu.memref_slice %arg6[%add3A_62, %dma_wait3A_93] : memref<10240x128xf32, #tpu.memory_space<vmem_shared>> -> memref<80x128xf32, #tpu.memory_space<vmem_shared>>
      tpu.wait_dma2 semaphore(%run_scoped3A : memref<!tpu.dma_semaphore, #tpu.memory_space<semaphore_mem>>) src(%dma_wait3A_94 : memref<80x128xf32, #tpu.memory_space<vmem_shared>>) dst(%arg7 : memref<80x128xf32, #tpu.memory_space<vmem>>)
      tpu.yield
    }) : () -> ()
    %add3A_63 = arith.constant 80 : i32
    %add3A_64 = arith.addi %add3A_56, %add3A_63 : i32
    "tpu.region"() ({
      %run_scoped3A = tpu.sem_alloc : memref<!tpu.dma_semaphore, #tpu.memory_space<semaphore_mem>>
      %dma_start3A = arith.constant 0 : i32
      %dma_start3A_89 = tpu.memref_slice %arg4[%add3A_64, %dma_start3A] : memref<20480x128xf32, #tpu.memory_space<hbm>> -> memref<80x128xf32, #tpu.memory_space<hbm>>
      %dma_start3A_90 = arith.constant 0 : i32
      %dma_start3A_91 = tpu.memref_slice %arg4[%add3A_64, %dma_start3A_90] : memref<20480x128xf32, #tpu.memory_space<hbm>> -> memref<80x128xf32, #tpu.memory_space<hbm>>
      tpu.enqueue_dma source(%arg7 : memref<80x128xf32, #tpu.memory_space<vmem>>) target(%dma_start3A_91 : memref<80x128xf32, #tpu.memory_space<hbm>>) target_semaphore(%run_scoped3A : memref<!tpu.dma_semaphore, #tpu.memory_space<semaphore_mem>>)
      %dma_wait3A = arith.constant 0 : i32
      %dma_wait3A_92 = tpu.memref_slice %arg4[%add3A_64, %dma_wait3A] : memref<20480x128xf32, #tpu.memory_space<hbm>> -> memref<80x128xf32, #tpu.memory_space<hbm>>
      %dma_wait3A_93 = arith.constant 0 : i32
      %dma_wait3A_94 = tpu.memref_slice %arg4[%add3A_64, %dma_wait3A_93] : memref<20480x128xf32, #tpu.memory_space<hbm>> -> memref<80x128xf32, #tpu.memory_space<hbm>>
      tpu.wait_dma2 semaphore(%run_scoped3A : memref<!tpu.dma_semaphore, #tpu.memory_space<semaphore_mem>>) src(%arg7 : memref<80x128xf32, #tpu.memory_space<vmem>>) dst(%dma_wait3A_94 : memref<80x128xf32, #tpu.memory_space<hbm>>)
      tpu.yield
    }) : () -> ()
    %add3A_65 = arith.constant 160 : i32
    %add3A_66 = arith.addi %mul3A_4, %add3A_65 : i32
    "tpu.region"() ({
      %run_scoped3A = tpu.sem_alloc : memref<!tpu.dma_semaphore, #tpu.memory_space<semaphore_mem>>
      %dma_start3A = arith.constant 0 : i32
      %dma_start3A_89 = tpu.memref_slice %arg6[%add3A_66, %dma_start3A] : memref<10240x128xf32, #tpu.memory_space<vmem_shared>> -> memref<80x128xf32, #tpu.memory_space<vmem_shared>>
      %dma_start3A_90 = arith.constant 0 : i32
      %dma_start3A_91 = tpu.memref_slice %arg6[%add3A_66, %dma_start3A_90] : memref<10240x128xf32, #tpu.memory_space<vmem_shared>> -> memref<80x128xf32, #tpu.memory_space<vmem_shared>>
      tpu.enqueue_dma source(%dma_start3A_91 : memref<80x128xf32, #tpu.memory_space<vmem_shared>>) target(%arg7 : memref<80x128xf32, #tpu.memory_space<vmem>>) target_semaphore(%run_scoped3A : memref<!tpu.dma_semaphore, #tpu.memory_space<semaphore_mem>>)
      %dma_wait3A = arith.constant 0 : i32
      %dma_wait3A_92 = tpu.memref_slice %arg6[%add3A_66, %dma_wait3A] : memref<10240x128xf32, #tpu.memory_space<vmem_shared>> -> memref<80x128xf32, #tpu.memory_space<vmem_shared>>
      %dma_wait3A_93 = arith.constant 0 : i32
      %dma_wait3A_94 = tpu.memref_slice %arg6[%add3A_66, %dma_wait3A_93] : memref<10240x128xf32, #tpu.memory_space<vmem_shared>> -> memref<80x128xf32, #tpu.memory_space<vmem_shared>>
      tpu.wait_dma2 semaphore(%run_scoped3A : memref<!tpu.dma_semaphore, #tpu.memory_space<semaphore_mem>>) src(%dma_wait3A_94 : memref<80x128xf32, #tpu.memory_space<vmem_shared>>) dst(%arg7 : memref<80x128xf32, #tpu.memory_space<vmem>>)
      tpu.yield
    }) : () -> ()
    %add3A_67 = arith.constant 160 : i32
    %add3A_68 = arith.addi %add3A_56, %add3A_67 : i32
    "tpu.region"() ({
      %run_scoped3A = tpu.sem_alloc : memref<!tpu.dma_semaphore, #tpu.memory_space<semaphore_mem>>
      %dma_start3A = arith.constant 0 : i32
      %dma_start3A_89 = tpu.memref_slice %arg4[%add3A_68, %dma_start3A] : memref<20480x128xf32, #tpu.memory_space<hbm>> -> memref<80x128xf32, #tpu.memory_space<hbm>>
      %dma_start3A_90 = arith.constant 0 : i32
      %dma_start3A_91 = tpu.memref_slice %arg4[%add3A_68, %dma_start3A_90] : memref<20480x128xf32, #tpu.memory_space<hbm>> -> memref<80x128xf32, #tpu.memory_space<hbm>>
      tpu.enqueue_dma source(%arg7 : memref<80x128xf32, #tpu.memory_space<vmem>>) target(%dma_start3A_91 : memref<80x128xf32, #tpu.memory_space<hbm>>) target_semaphore(%run_scoped3A : memref<!tpu.dma_semaphore, #tpu.memory_space<semaphore_mem>>)
      %dma_wait3A = arith.constant 0 : i32
      %dma_wait3A_92 = tpu.memref_slice %arg4[%add3A_68, %dma_wait3A] : memref<20480x128xf32, #tpu.memory_space<hbm>> -> memref<80x128xf32, #tpu.memory_space<hbm>>
      %dma_wait3A_93 = arith.constant 0 : i32
      %dma_wait3A_94 = tpu.memref_slice %arg4[%add3A_68, %dma_wait3A_93] : memref<20480x128xf32, #tpu.memory_space<hbm>> -> memref<80x128xf32, #tpu.memory_space<hbm>>
      tpu.wait_dma2 semaphore(%run_scoped3A : memref<!tpu.dma_semaphore, #tpu.memory_space<semaphore_mem>>) src(%arg7 : memref<80x128xf32, #tpu.memory_space<vmem>>) dst(%dma_wait3A_94 : memref<80x128xf32, #tpu.memory_space<hbm>>)
      tpu.yield
    }) : () -> ()
    %add3A_69 = arith.constant 240 : i32
    %add3A_70 = arith.addi %mul3A_4, %add3A_69 : i32
    "tpu.region"() ({
      %run_scoped3A = tpu.sem_alloc : memref<!tpu.dma_semaphore, #tpu.memory_space<semaphore_mem>>
      %dma_start3A = arith.constant 0 : i32
      %dma_start3A_89 = tpu.memref_slice %arg6[%add3A_70, %dma_start3A] : memref<10240x128xf32, #tpu.memory_space<vmem_shared>> -> memref<80x128xf32, #tpu.memory_space<vmem_shared>>
      %dma_start3A_90 = arith.constant 0 : i32
      %dma_start3A_91 = tpu.memref_slice %arg6[%add3A_70, %dma_start3A_90] : memref<10240x128xf32, #tpu.memory_space<vmem_shared>> -> memref<80x128xf32, #tpu.memory_space<vmem_shared>>
      tpu.enqueue_dma source(%dma_start3A_91 : memref<80x128xf32, #tpu.memory_space<vmem_shared>>) target(%arg7 : memref<80x128xf32, #tpu.memory_space<vmem>>) target_semaphore(%run_scoped3A : memref<!tpu.dma_semaphore, #tpu.memory_space<semaphore_mem>>)
      %dma_wait3A = arith.constant 0 : i32
      %dma_wait3A_92 = tpu.memref_slice %arg6[%add3A_70, %dma_wait3A] : memref<10240x128xf32, #tpu.memory_space<vmem_shared>> -> memref<80x128xf32, #tpu.memory_space<vmem_shared>>
      %dma_wait3A_93 = arith.constant 0 : i32
      %dma_wait3A_94 = tpu.memref_slice %arg6[%add3A_70, %dma_wait3A_93] : memref<10240x128xf32, #tpu.memory_space<vmem_shared>> -> memref<80x128xf32, #tpu.memory_space<vmem_shared>>
      tpu.wait_dma2 semaphore(%run_scoped3A : memref<!tpu.dma_semaphore, #tpu.memory_space<semaphore_mem>>) src(%dma_wait3A_94 : memref<80x128xf32, #tpu.memory_space<vmem_shared>>) dst(%arg7 : memref<80x128xf32, #tpu.memory_space<vmem>>)
      tpu.yield
    }) : () -> ()
    %add3A_71 = arith.constant 240 : i32
    %add3A_72 = arith.addi %add3A_56, %add3A_71 : i32
    "tpu.region"() ({
      %run_scoped3A = tpu.sem_alloc : memref<!tpu.dma_semaphore, #tpu.memory_space<semaphore_mem>>
      %dma_start3A = arith.constant 0 : i32
      %dma_start3A_89 = tpu.memref_slice %arg4[%add3A_72, %dma_start3A] : memref<20480x128xf32, #tpu.memory_space<hbm>> -> memref<80x128xf32, #tpu.memory_space<hbm>>
      %dma_start3A_90 = arith.constant 0 : i32
      %dma_start3A_91 = tpu.memref_slice %arg4[%add3A_72, %dma_start3A_90] : memref<20480x128xf32, #tpu.memory_space<hbm>> -> memref<80x128xf32, #tpu.memory_space<hbm>>
      tpu.enqueue_dma source(%arg7 : memref<80x128xf32, #tpu.memory_space<vmem>>) target(%dma_start3A_91 : memref<80x128xf32, #tpu.memory_space<hbm>>) target_semaphore(%run_scoped3A : memref<!tpu.dma_semaphore, #tpu.memory_space<semaphore_mem>>)
      %dma_wait3A = arith.constant 0 : i32
      %dma_wait3A_92 = tpu.memref_slice %arg4[%add3A_72, %dma_wait3A] : memref<20480x128xf32, #tpu.memory_space<hbm>> -> memref<80x128xf32, #tpu.memory_space<hbm>>
      %dma_wait3A_93 = arith.constant 0 : i32
      %dma_wait3A_94 = tpu.memref_slice %arg4[%add3A_72, %dma_wait3A_93] : memref<20480x128xf32, #tpu.memory_space<hbm>> -> memref<80x128xf32, #tpu.memory_space<hbm>>
      tpu.wait_dma2 semaphore(%run_scoped3A : memref<!tpu.dma_semaphore, #tpu.memory_space<semaphore_mem>>) src(%arg7 : memref<80x128xf32, #tpu.memory_space<vmem>>) dst(%dma_wait3A_94 : memref<80x128xf32, #tpu.memory_space<hbm>>)
      tpu.yield
    }) : () -> ()
    %add3A_73 = arith.constant 320 : i32
    %add3A_74 = arith.addi %mul3A_4, %add3A_73 : i32
    "tpu.region"() ({
      %run_scoped3A = tpu.sem_alloc : memref<!tpu.dma_semaphore, #tpu.memory_space<semaphore_mem>>
      %dma_start3A = arith.constant 0 : i32
      %dma_start3A_89 = tpu.memref_slice %arg6[%add3A_74, %dma_start3A] : memref<10240x128xf32, #tpu.memory_space<vmem_shared>> -> memref<80x128xf32, #tpu.memory_space<vmem_shared>>
      %dma_start3A_90 = arith.constant 0 : i32
      %dma_start3A_91 = tpu.memref_slice %arg6[%add3A_74, %dma_start3A_90] : memref<10240x128xf32, #tpu.memory_space<vmem_shared>> -> memref<80x128xf32, #tpu.memory_space<vmem_shared>>
      tpu.enqueue_dma source(%dma_start3A_91 : memref<80x128xf32, #tpu.memory_space<vmem_shared>>) target(%arg7 : memref<80x128xf32, #tpu.memory_space<vmem>>) target_semaphore(%run_scoped3A : memref<!tpu.dma_semaphore, #tpu.memory_space<semaphore_mem>>)
      %dma_wait3A = arith.constant 0 : i32
      %dma_wait3A_92 = tpu.memref_slice %arg6[%add3A_74, %dma_wait3A] : memref<10240x128xf32, #tpu.memory_space<vmem_shared>> -> memref<80x128xf32, #tpu.memory_space<vmem_shared>>
      %dma_wait3A_93 = arith.constant 0 : i32
      %dma_wait3A_94 = tpu.memref_slice %arg6[%add3A_74, %dma_wait3A_93] : memref<10240x128xf32, #tpu.memory_space<vmem_shared>> -> memref<80x128xf32, #tpu.memory_space<vmem_shared>>
      tpu.wait_dma2 semaphore(%run_scoped3A : memref<!tpu.dma_semaphore, #tpu.memory_space<semaphore_mem>>) src(%dma_wait3A_94 : memref<80x128xf32, #tpu.memory_space<vmem_shared>>) dst(%arg7 : memref<80x128xf32, #tpu.memory_space<vmem>>)
      tpu.yield
    }) : () -> ()
    %add3A_75 = arith.constant 320 : i32
    %add3A_76 = arith.addi %add3A_56, %add3A_75 : i32
    "tpu.region"() ({
      %run_scoped3A = tpu.sem_alloc : memref<!tpu.dma_semaphore, #tpu.memory_space<semaphore_mem>>
      %dma_start3A = arith.constant 0 : i32
      %dma_start3A_89 = tpu.memref_slice %arg4[%add3A_76, %dma_start3A] : memref<20480x128xf32, #tpu.memory_space<hbm>> -> memref<80x128xf32, #tpu.memory_space<hbm>>
      %dma_start3A_90 = arith.constant 0 : i32
      %dma_start3A_91 = tpu.memref_slice %arg4[%add3A_76, %dma_start3A_90] : memref<20480x128xf32, #tpu.memory_space<hbm>> -> memref<80x128xf32, #tpu.memory_space<hbm>>
      tpu.enqueue_dma source(%arg7 : memref<80x128xf32, #tpu.memory_space<vmem>>) target(%dma_start3A_91 : memref<80x128xf32, #tpu.memory_space<hbm>>) target_semaphore(%run_scoped3A : memref<!tpu.dma_semaphore, #tpu.memory_space<semaphore_mem>>)
      %dma_wait3A = arith.constant 0 : i32
      %dma_wait3A_92 = tpu.memref_slice %arg4[%add3A_76, %dma_wait3A] : memref<20480x128xf32, #tpu.memory_space<hbm>> -> memref<80x128xf32, #tpu.memory_space<hbm>>
      %dma_wait3A_93 = arith.constant 0 : i32
      %dma_wait3A_94 = tpu.memref_slice %arg4[%add3A_76, %dma_wait3A_93] : memref<20480x128xf32, #tpu.memory_space<hbm>> -> memref<80x128xf32, #tpu.memory_space<hbm>>
      tpu.wait_dma2 semaphore(%run_scoped3A : memref<!tpu.dma_semaphore, #tpu.memory_space<semaphore_mem>>) src(%arg7 : memref<80x128xf32, #tpu.memory_space<vmem>>) dst(%dma_wait3A_94 : memref<80x128xf32, #tpu.memory_space<hbm>>)
      tpu.yield
    }) : () -> ()
    %add3A_77 = arith.constant 400 : i32
    %add3A_78 = arith.addi %mul3A_4, %add3A_77 : i32
    "tpu.region"() ({
      %run_scoped3A = tpu.sem_alloc : memref<!tpu.dma_semaphore, #tpu.memory_space<semaphore_mem>>
      %dma_start3A = arith.constant 0 : i32
      %dma_start3A_89 = tpu.memref_slice %arg6[%add3A_78, %dma_start3A] : memref<10240x128xf32, #tpu.memory_space<vmem_shared>> -> memref<80x128xf32, #tpu.memory_space<vmem_shared>>
      %dma_start3A_90 = arith.constant 0 : i32
      %dma_start3A_91 = tpu.memref_slice %arg6[%add3A_78, %dma_start3A_90] : memref<10240x128xf32, #tpu.memory_space<vmem_shared>> -> memref<80x128xf32, #tpu.memory_space<vmem_shared>>
      tpu.enqueue_dma source(%dma_start3A_91 : memref<80x128xf32, #tpu.memory_space<vmem_shared>>) target(%arg7 : memref<80x128xf32, #tpu.memory_space<vmem>>) target_semaphore(%run_scoped3A : memref<!tpu.dma_semaphore, #tpu.memory_space<semaphore_mem>>)
      %dma_wait3A = arith.constant 0 : i32
      %dma_wait3A_92 = tpu.memref_slice %arg6[%add3A_78, %dma_wait3A] : memref<10240x128xf32, #tpu.memory_space<vmem_shared>> -> memref<80x128xf32, #tpu.memory_space<vmem_shared>>
      %dma_wait3A_93 = arith.constant 0 : i32
      %dma_wait3A_94 = tpu.memref_slice %arg6[%add3A_78, %dma_wait3A_93] : memref<10240x128xf32, #tpu.memory_space<vmem_shared>> -> memref<80x128xf32, #tpu.memory_space<vmem_shared>>
      tpu.wait_dma2 semaphore(%run_scoped3A : memref<!tpu.dma_semaphore, #tpu.memory_space<semaphore_mem>>) src(%dma_wait3A_94 : memref<80x128xf32, #tpu.memory_space<vmem_shared>>) dst(%arg7 : memref<80x128xf32, #tpu.memory_space<vmem>>)
      tpu.yield
    }) : () -> ()
    %add3A_79 = arith.constant 400 : i32
    %add3A_80 = arith.addi %add3A_56, %add3A_79 : i32
    "tpu.region"() ({
      %run_scoped3A = tpu.sem_alloc : memref<!tpu.dma_semaphore, #tpu.memory_space<semaphore_mem>>
      %dma_start3A = arith.constant 0 : i32
      %dma_start3A_89 = tpu.memref_slice %arg4[%add3A_80, %dma_start3A] : memref<20480x128xf32, #tpu.memory_space<hbm>> -> memref<80x128xf32, #tpu.memory_space<hbm>>
      %dma_start3A_90 = arith.constant 0 : i32
      %dma_start3A_91 = tpu.memref_slice %arg4[%add3A_80, %dma_start3A_90] : memref<20480x128xf32, #tpu.memory_space<hbm>> -> memref<80x128xf32, #tpu.memory_space<hbm>>
      tpu.enqueue_dma source(%arg7 : memref<80x128xf32, #tpu.memory_space<vmem>>) target(%dma_start3A_91 : memref<80x128xf32, #tpu.memory_space<hbm>>) target_semaphore(%run_scoped3A : memref<!tpu.dma_semaphore, #tpu.memory_space<semaphore_mem>>)
      %dma_wait3A = arith.constant 0 : i32
      %dma_wait3A_92 = tpu.memref_slice %arg4[%add3A_80, %dma_wait3A] : memref<20480x128xf32, #tpu.memory_space<hbm>> -> memref<80x128xf32, #tpu.memory_space<hbm>>
      %dma_wait3A_93 = arith.constant 0 : i32
      %dma_wait3A_94 = tpu.memref_slice %arg4[%add3A_80, %dma_wait3A_93] : memref<20480x128xf32, #tpu.memory_space<hbm>> -> memref<80x128xf32, #tpu.memory_space<hbm>>
      tpu.wait_dma2 semaphore(%run_scoped3A : memref<!tpu.dma_semaphore, #tpu.memory_space<semaphore_mem>>) src(%arg7 : memref<80x128xf32, #tpu.memory_space<vmem>>) dst(%dma_wait3A_94 : memref<80x128xf32, #tpu.memory_space<hbm>>)
      tpu.yield
    }) : () -> ()
    %add3A_81 = arith.constant 480 : i32
    %add3A_82 = arith.addi %mul3A_4, %add3A_81 : i32
    "tpu.region"() ({
      %run_scoped3A = tpu.sem_alloc : memref<!tpu.dma_semaphore, #tpu.memory_space<semaphore_mem>>
      %dma_start3A = arith.constant 0 : i32
      %dma_start3A_89 = tpu.memref_slice %arg6[%add3A_82, %dma_start3A] : memref<10240x128xf32, #tpu.memory_space<vmem_shared>> -> memref<80x128xf32, #tpu.memory_space<vmem_shared>>
      %dma_start3A_90 = arith.constant 0 : i32
      %dma_start3A_91 = tpu.memref_slice %arg6[%add3A_82, %dma_start3A_90] : memref<10240x128xf32, #tpu.memory_space<vmem_shared>> -> memref<80x128xf32, #tpu.memory_space<vmem_shared>>
      tpu.enqueue_dma source(%dma_start3A_91 : memref<80x128xf32, #tpu.memory_space<vmem_shared>>) target(%arg7 : memref<80x128xf32, #tpu.memory_space<vmem>>) target_semaphore(%run_scoped3A : memref<!tpu.dma_semaphore, #tpu.memory_space<semaphore_mem>>)
      %dma_wait3A = arith.constant 0 : i32
      %dma_wait3A_92 = tpu.memref_slice %arg6[%add3A_82, %dma_wait3A] : memref<10240x128xf32, #tpu.memory_space<vmem_shared>> -> memref<80x128xf32, #tpu.memory_space<vmem_shared>>
      %dma_wait3A_93 = arith.constant 0 : i32
      %dma_wait3A_94 = tpu.memref_slice %arg6[%add3A_82, %dma_wait3A_93] : memref<10240x128xf32, #tpu.memory_space<vmem_shared>> -> memref<80x128xf32, #tpu.memory_space<vmem_shared>>
      tpu.wait_dma2 semaphore(%run_scoped3A : memref<!tpu.dma_semaphore, #tpu.memory_space<semaphore_mem>>) src(%dma_wait3A_94 : memref<80x128xf32, #tpu.memory_space<vmem_shared>>) dst(%arg7 : memref<80x128xf32, #tpu.memory_space<vmem>>)
      tpu.yield
    }) : () -> ()
    %add3A_83 = arith.constant 480 : i32
    %add3A_84 = arith.addi %add3A_56, %add3A_83 : i32
    "tpu.region"() ({
      %run_scoped3A = tpu.sem_alloc : memref<!tpu.dma_semaphore, #tpu.memory_space<semaphore_mem>>
      %dma_start3A = arith.constant 0 : i32
      %dma_start3A_89 = tpu.memref_slice %arg4[%add3A_84, %dma_start3A] : memref<20480x128xf32, #tpu.memory_space<hbm>> -> memref<80x128xf32, #tpu.memory_space<hbm>>
      %dma_start3A_90 = arith.constant 0 : i32
      %dma_start3A_91 = tpu.memref_slice %arg4[%add3A_84, %dma_start3A_90] : memref<20480x128xf32, #tpu.memory_space<hbm>> -> memref<80x128xf32, #tpu.memory_space<hbm>>
      tpu.enqueue_dma source(%arg7 : memref<80x128xf32, #tpu.memory_space<vmem>>) target(%dma_start3A_91 : memref<80x128xf32, #tpu.memory_space<hbm>>) target_semaphore(%run_scoped3A : memref<!tpu.dma_semaphore, #tpu.memory_space<semaphore_mem>>)
      %dma_wait3A = arith.constant 0 : i32
      %dma_wait3A_92 = tpu.memref_slice %arg4[%add3A_84, %dma_wait3A] : memref<20480x128xf32, #tpu.memory_space<hbm>> -> memref<80x128xf32, #tpu.memory_space<hbm>>
      %dma_wait3A_93 = arith.constant 0 : i32
      %dma_wait3A_94 = tpu.memref_slice %arg4[%add3A_84, %dma_wait3A_93] : memref<20480x128xf32, #tpu.memory_space<hbm>> -> memref<80x128xf32, #tpu.memory_space<hbm>>
      tpu.wait_dma2 semaphore(%run_scoped3A : memref<!tpu.dma_semaphore, #tpu.memory_space<semaphore_mem>>) src(%arg7 : memref<80x128xf32, #tpu.memory_space<vmem>>) dst(%dma_wait3A_94 : memref<80x128xf32, #tpu.memory_space<hbm>>)
      tpu.yield
    }) : () -> ()
    %add3A_85 = arith.constant 560 : i32
    %add3A_86 = arith.addi %mul3A_4, %add3A_85 : i32
    "tpu.region"() ({
      %run_scoped3A = tpu.sem_alloc : memref<!tpu.dma_semaphore, #tpu.memory_space<semaphore_mem>>
      %dma_start3A = arith.constant 0 : i32
      %dma_start3A_89 = tpu.memref_slice %arg6[%add3A_86, %dma_start3A] : memref<10240x128xf32, #tpu.memory_space<vmem_shared>> -> memref<80x128xf32, #tpu.memory_space<vmem_shared>>
      %dma_start3A_90 = arith.constant 0 : i32
      %dma_start3A_91 = tpu.memref_slice %arg6[%add3A_86, %dma_start3A_90] : memref<10240x128xf32, #tpu.memory_space<vmem_shared>> -> memref<80x128xf32, #tpu.memory_space<vmem_shared>>
      tpu.enqueue_dma source(%dma_start3A_91 : memref<80x128xf32, #tpu.memory_space<vmem_shared>>) target(%arg7 : memref<80x128xf32, #tpu.memory_space<vmem>>) target_semaphore(%run_scoped3A : memref<!tpu.dma_semaphore, #tpu.memory_space<semaphore_mem>>)
      %dma_wait3A = arith.constant 0 : i32
      %dma_wait3A_92 = tpu.memref_slice %arg6[%add3A_86, %dma_wait3A] : memref<10240x128xf32, #tpu.memory_space<vmem_shared>> -> memref<80x128xf32, #tpu.memory_space<vmem_shared>>
      %dma_wait3A_93 = arith.constant 0 : i32
      %dma_wait3A_94 = tpu.memref_slice %arg6[%add3A_86, %dma_wait3A_93] : memref<10240x128xf32, #tpu.memory_space<vmem_shared>> -> memref<80x128xf32, #tpu.memory_space<vmem_shared>>
      tpu.wait_dma2 semaphore(%run_scoped3A : memref<!tpu.dma_semaphore, #tpu.memory_space<semaphore_mem>>) src(%dma_wait3A_94 : memref<80x128xf32, #tpu.memory_space<vmem_shared>>) dst(%arg7 : memref<80x128xf32, #tpu.memory_space<vmem>>)
      tpu.yield
    }) : () -> ()
    %add3A_87 = arith.constant 560 : i32
    %add3A_88 = arith.addi %add3A_56, %add3A_87 : i32
    "tpu.region"() ({
      %run_scoped3A = tpu.sem_alloc : memref<!tpu.dma_semaphore, #tpu.memory_space<semaphore_mem>>
      %dma_start3A = arith.constant 0 : i32
      %dma_start3A_89 = tpu.memref_slice %arg4[%add3A_88, %dma_start3A] : memref<20480x128xf32, #tpu.memory_space<hbm>> -> memref<80x128xf32, #tpu.memory_space<hbm>>
      %dma_start3A_90 = arith.constant 0 : i32
      %dma_start3A_91 = tpu.memref_slice %arg4[%add3A_88, %dma_start3A_90] : memref<20480x128xf32, #tpu.memory_space<hbm>> -> memref<80x128xf32, #tpu.memory_space<hbm>>
      tpu.enqueue_dma source(%arg7 : memref<80x128xf32, #tpu.memory_space<vmem>>) target(%dma_start3A_91 : memref<80x128xf32, #tpu.memory_space<hbm>>) target_semaphore(%run_scoped3A : memref<!tpu.dma_semaphore, #tpu.memory_space<semaphore_mem>>)
      %dma_wait3A = arith.constant 0 : i32
      %dma_wait3A_92 = tpu.memref_slice %arg4[%add3A_88, %dma_wait3A] : memref<20480x128xf32, #tpu.memory_space<hbm>> -> memref<80x128xf32, #tpu.memory_space<hbm>>
      %dma_wait3A_93 = arith.constant 0 : i32
      %dma_wait3A_94 = tpu.memref_slice %arg4[%add3A_88, %dma_wait3A_93] : memref<20480x128xf32, #tpu.memory_space<hbm>> -> memref<80x128xf32, #tpu.memory_space<hbm>>
      tpu.wait_dma2 semaphore(%run_scoped3A : memref<!tpu.dma_semaphore, #tpu.memory_space<semaphore_mem>>) src(%arg7 : memref<80x128xf32, #tpu.memory_space<vmem>>) dst(%dma_wait3A_94 : memref<80x128xf32, #tpu.memory_space<hbm>>)
      tpu.yield
    }) : () -> ()
    return
  }
}

module attributes {stable_mosaic.version = 14 : i64} {
  func.func @_mlp_body(%arg0: memref<20480x128xf32, #tpu.memory_space<vmem>>, %arg1: memref<2560x128xf32, #tpu.memory_space<vmem>>, %arg2: memref<64x128xf32, #tpu.memory_space<vmem>>, %arg3: memref<1x64xf32, #tpu.memory_space<vmem>>, %arg4: memref<1x64xf32, #tpu.memory_space<vmem>>, %arg5: memref<10000x1xf32, #tpu.memory_space<vmem>>) attributes {dimension_semantics = [], scalar_prefetch = 0 : i64, scratch_operands = 0 : i64, tpu.core_type = #tpu.core_type<tc>} {
    %get3A = arith.constant 0 : index
    %get3A_0 = arith.constant 0 : index
    %get3A_1 = vector.load %arg0[%get3A, %get3A_0] : memref<20480x128xf32, #tpu.memory_space<vmem>>, vector<10000x128xf32>
    %get3A_2 = arith.constant 10240 : index
    %get3A_3 = arith.constant 0 : index
    %get3A_4 = vector.load %arg0[%get3A_2, %get3A_3] : memref<20480x128xf32, #tpu.memory_space<vmem>>, vector<10000x128xf32>
    %add3A = arith.addf %get3A_1, %get3A_4 : vector<10000x128xf32>
    %broadcast_in_dim3A = arith.constant 0.000000e+00 : f32
    %broadcast_in_dim3A_5 = vector.broadcast %broadcast_in_dim3A : f32 to vector<80x128xf32>
    %get3A_6 = arith.constant 0 : index
    %get3A_7 = arith.constant 0 : index
    %get3A_8 = vector.load %arg1[%get3A_6, %get3A_7] : memref<2560x128xf32, #tpu.memory_space<vmem>>, vector<80x128xf32>
    %add3A_9 = arith.addf %broadcast_in_dim3A_5, %get3A_8 : vector<80x128xf32>
    %get3A_10 = arith.constant 80 : index
    %get3A_11 = arith.constant 0 : index
    %get3A_12 = vector.load %arg1[%get3A_10, %get3A_11] : memref<2560x128xf32, #tpu.memory_space<vmem>>, vector<80x128xf32>
    %add3A_13 = arith.addf %add3A_9, %get3A_12 : vector<80x128xf32>
    %get3A_14 = arith.constant 160 : index
    %get3A_15 = arith.constant 0 : index
    %get3A_16 = vector.load %arg1[%get3A_14, %get3A_15] : memref<2560x128xf32, #tpu.memory_space<vmem>>, vector<80x128xf32>
    %add3A_17 = arith.addf %add3A_13, %get3A_16 : vector<80x128xf32>
    %get3A_18 = arith.constant 240 : index
    %get3A_19 = arith.constant 0 : index
    %get3A_20 = vector.load %arg1[%get3A_18, %get3A_19] : memref<2560x128xf32, #tpu.memory_space<vmem>>, vector<80x128xf32>
    %add3A_21 = arith.addf %add3A_17, %get3A_20 : vector<80x128xf32>
    %get3A_22 = arith.constant 320 : index
    %get3A_23 = arith.constant 0 : index
    %get3A_24 = vector.load %arg1[%get3A_22, %get3A_23] : memref<2560x128xf32, #tpu.memory_space<vmem>>, vector<80x128xf32>
    %add3A_25 = arith.addf %add3A_21, %get3A_24 : vector<80x128xf32>
    %get3A_26 = arith.constant 400 : index
    %get3A_27 = arith.constant 0 : index
    %get3A_28 = vector.load %arg1[%get3A_26, %get3A_27] : memref<2560x128xf32, #tpu.memory_space<vmem>>, vector<80x128xf32>
    %add3A_29 = arith.addf %add3A_25, %get3A_28 : vector<80x128xf32>
    %get3A_30 = arith.constant 480 : index
    %get3A_31 = arith.constant 0 : index
    %get3A_32 = vector.load %arg1[%get3A_30, %get3A_31] : memref<2560x128xf32, #tpu.memory_space<vmem>>, vector<80x128xf32>
    %add3A_33 = arith.addf %add3A_29, %get3A_32 : vector<80x128xf32>
    %get3A_34 = arith.constant 560 : index
    %get3A_35 = arith.constant 0 : index
    %get3A_36 = vector.load %arg1[%get3A_34, %get3A_35] : memref<2560x128xf32, #tpu.memory_space<vmem>>, vector<80x128xf32>
    %add3A_37 = arith.addf %add3A_33, %get3A_36 : vector<80x128xf32>
    %get3A_38 = arith.constant 640 : index
    %get3A_39 = arith.constant 0 : index
    %get3A_40 = vector.load %arg1[%get3A_38, %get3A_39] : memref<2560x128xf32, #tpu.memory_space<vmem>>, vector<80x128xf32>
    %add3A_41 = arith.addf %add3A_37, %get3A_40 : vector<80x128xf32>
    %get3A_42 = arith.constant 720 : index
    %get3A_43 = arith.constant 0 : index
    %get3A_44 = vector.load %arg1[%get3A_42, %get3A_43] : memref<2560x128xf32, #tpu.memory_space<vmem>>, vector<80x128xf32>
    %add3A_45 = arith.addf %add3A_41, %get3A_44 : vector<80x128xf32>
    %get3A_46 = arith.constant 800 : index
    %get3A_47 = arith.constant 0 : index
    %get3A_48 = vector.load %arg1[%get3A_46, %get3A_47] : memref<2560x128xf32, #tpu.memory_space<vmem>>, vector<80x128xf32>
    %add3A_49 = arith.addf %add3A_45, %get3A_48 : vector<80x128xf32>
    %get3A_50 = arith.constant 880 : index
    %get3A_51 = arith.constant 0 : index
    %get3A_52 = vector.load %arg1[%get3A_50, %get3A_51] : memref<2560x128xf32, #tpu.memory_space<vmem>>, vector<80x128xf32>
    %add3A_53 = arith.addf %add3A_49, %get3A_52 : vector<80x128xf32>
    %get3A_54 = arith.constant 960 : index
    %get3A_55 = arith.constant 0 : index
    %get3A_56 = vector.load %arg1[%get3A_54, %get3A_55] : memref<2560x128xf32, #tpu.memory_space<vmem>>, vector<80x128xf32>
    %add3A_57 = arith.addf %add3A_53, %get3A_56 : vector<80x128xf32>
    %get3A_58 = arith.constant 1040 : index
    %get3A_59 = arith.constant 0 : index
    %get3A_60 = vector.load %arg1[%get3A_58, %get3A_59] : memref<2560x128xf32, #tpu.memory_space<vmem>>, vector<80x128xf32>
    %add3A_61 = arith.addf %add3A_57, %get3A_60 : vector<80x128xf32>
    %get3A_62 = arith.constant 1120 : index
    %get3A_63 = arith.constant 0 : index
    %get3A_64 = vector.load %arg1[%get3A_62, %get3A_63] : memref<2560x128xf32, #tpu.memory_space<vmem>>, vector<80x128xf32>
    %add3A_65 = arith.addf %add3A_61, %get3A_64 : vector<80x128xf32>
    %get3A_66 = arith.constant 1200 : index
    %get3A_67 = arith.constant 0 : index
    %get3A_68 = vector.load %arg1[%get3A_66, %get3A_67] : memref<2560x128xf32, #tpu.memory_space<vmem>>, vector<80x128xf32>
    %add3A_69 = arith.addf %add3A_65, %get3A_68 : vector<80x128xf32>
    %get3A_70 = arith.constant 1280 : index
    %get3A_71 = arith.constant 0 : index
    %get3A_72 = vector.load %arg1[%get3A_70, %get3A_71] : memref<2560x128xf32, #tpu.memory_space<vmem>>, vector<80x128xf32>
    %add3A_73 = arith.addf %add3A_69, %get3A_72 : vector<80x128xf32>
    %get3A_74 = arith.constant 1360 : index
    %get3A_75 = arith.constant 0 : index
    %get3A_76 = vector.load %arg1[%get3A_74, %get3A_75] : memref<2560x128xf32, #tpu.memory_space<vmem>>, vector<80x128xf32>
    %add3A_77 = arith.addf %add3A_73, %get3A_76 : vector<80x128xf32>
    %get3A_78 = arith.constant 1440 : index
    %get3A_79 = arith.constant 0 : index
    %get3A_80 = vector.load %arg1[%get3A_78, %get3A_79] : memref<2560x128xf32, #tpu.memory_space<vmem>>, vector<80x128xf32>
    %add3A_81 = arith.addf %add3A_77, %get3A_80 : vector<80x128xf32>
    %get3A_82 = arith.constant 1520 : index
    %get3A_83 = arith.constant 0 : index
    %get3A_84 = vector.load %arg1[%get3A_82, %get3A_83] : memref<2560x128xf32, #tpu.memory_space<vmem>>, vector<80x128xf32>
    %add3A_85 = arith.addf %add3A_81, %get3A_84 : vector<80x128xf32>
    %get3A_86 = arith.constant 1600 : index
    %get3A_87 = arith.constant 0 : index
    %get3A_88 = vector.load %arg1[%get3A_86, %get3A_87] : memref<2560x128xf32, #tpu.memory_space<vmem>>, vector<80x128xf32>
    %add3A_89 = arith.addf %add3A_85, %get3A_88 : vector<80x128xf32>
    %get3A_90 = arith.constant 1680 : index
    %get3A_91 = arith.constant 0 : index
    %get3A_92 = vector.load %arg1[%get3A_90, %get3A_91] : memref<2560x128xf32, #tpu.memory_space<vmem>>, vector<80x128xf32>
    %add3A_93 = arith.addf %add3A_89, %get3A_92 : vector<80x128xf32>
    %get3A_94 = arith.constant 1760 : index
    %get3A_95 = arith.constant 0 : index
    %get3A_96 = vector.load %arg1[%get3A_94, %get3A_95] : memref<2560x128xf32, #tpu.memory_space<vmem>>, vector<80x128xf32>
    %add3A_97 = arith.addf %add3A_93, %get3A_96 : vector<80x128xf32>
    %get3A_98 = arith.constant 1840 : index
    %get3A_99 = arith.constant 0 : index
    %get3A_100 = vector.load %arg1[%get3A_98, %get3A_99] : memref<2560x128xf32, #tpu.memory_space<vmem>>, vector<80x128xf32>
    %add3A_101 = arith.addf %add3A_97, %get3A_100 : vector<80x128xf32>
    %get3A_102 = arith.constant 1920 : index
    %get3A_103 = arith.constant 0 : index
    %get3A_104 = vector.load %arg1[%get3A_102, %get3A_103] : memref<2560x128xf32, #tpu.memory_space<vmem>>, vector<80x128xf32>
    %add3A_105 = arith.addf %add3A_101, %get3A_104 : vector<80x128xf32>
    %get3A_106 = arith.constant 2000 : index
    %get3A_107 = arith.constant 0 : index
    %get3A_108 = vector.load %arg1[%get3A_106, %get3A_107] : memref<2560x128xf32, #tpu.memory_space<vmem>>, vector<80x128xf32>
    %add3A_109 = arith.addf %add3A_105, %get3A_108 : vector<80x128xf32>
    %get3A_110 = arith.constant 2080 : index
    %get3A_111 = arith.constant 0 : index
    %get3A_112 = vector.load %arg1[%get3A_110, %get3A_111] : memref<2560x128xf32, #tpu.memory_space<vmem>>, vector<80x128xf32>
    %add3A_113 = arith.addf %add3A_109, %get3A_112 : vector<80x128xf32>
    %get3A_114 = arith.constant 2160 : index
    %get3A_115 = arith.constant 0 : index
    %get3A_116 = vector.load %arg1[%get3A_114, %get3A_115] : memref<2560x128xf32, #tpu.memory_space<vmem>>, vector<80x128xf32>
    %add3A_117 = arith.addf %add3A_113, %get3A_116 : vector<80x128xf32>
    %get3A_118 = arith.constant 2240 : index
    %get3A_119 = arith.constant 0 : index
    %get3A_120 = vector.load %arg1[%get3A_118, %get3A_119] : memref<2560x128xf32, #tpu.memory_space<vmem>>, vector<80x128xf32>
    %add3A_121 = arith.addf %add3A_117, %get3A_120 : vector<80x128xf32>
    %get3A_122 = arith.constant 2320 : index
    %get3A_123 = arith.constant 0 : index
    %get3A_124 = vector.load %arg1[%get3A_122, %get3A_123] : memref<2560x128xf32, #tpu.memory_space<vmem>>, vector<80x128xf32>
    %add3A_125 = arith.addf %add3A_121, %get3A_124 : vector<80x128xf32>
    %get3A_126 = arith.constant 2400 : index
    %get3A_127 = arith.constant 0 : index
    %get3A_128 = vector.load %arg1[%get3A_126, %get3A_127] : memref<2560x128xf32, #tpu.memory_space<vmem>>, vector<80x128xf32>
    %add3A_129 = arith.addf %add3A_125, %get3A_128 : vector<80x128xf32>
    %get3A_130 = arith.constant 2480 : index
    %get3A_131 = arith.constant 0 : index
    %get3A_132 = vector.load %arg1[%get3A_130, %get3A_131] : memref<2560x128xf32, #tpu.memory_space<vmem>>, vector<80x128xf32>
    %add3A_133 = arith.addf %add3A_129, %get3A_132 : vector<80x128xf32>
    %iota3A = tpu.iota {dimensions = array<i32: 0>} : vector<10000x80xi32>
    %iota3A_134 = tpu.iota {dimensions = array<i32: 1>} : vector<10000x80xi32>
    %shift_right_logical3A = arith.constant 7 : i32
    %shift_right_logical3A_135 = vector.broadcast %shift_right_logical3A : i32 to vector<10000x80xi32>
    %shift_right_logical3A_136 = arith.shrui %iota3A, %shift_right_logical3A_135 : vector<10000x80xi32>
    %eq3A = arith.cmpi eq, %shift_right_logical3A_136, %iota3A_134 : vector<10000x80xi32>
    %convert_element_type3A = arith.extui %eq3A : vector<10000x80xi1> to vector<10000x80xi32>
    %convert_element_type3A_137 = arith.sitofp %convert_element_type3A : vector<10000x80xi32> to vector<10000x80xf32>
    %dot_general3A = arith.constant dense<0.000000e+00> : vector<10000x128xf32>
    %dot_general3A_138 = tpu.matmul %convert_element_type3A_137, %add3A_133, %dot_general3A {dimension_numbers = #tpu.dot_dimension_numbers<[1], [0], [0], [1], [0, 0, 1, 1], [], []>, transpose_lhs_hint = false} : vector<10000x80xf32>, vector<80x128xf32>, vector<10000x128xf32> -> vector<10000x128xf32>
    %iota3A_139 = tpu.iota {dimensions = array<i32: 0>} : vector<10000x128xi32>
    %iota3A_140 = tpu.iota {dimensions = array<i32: 1>} : vector<10000x128xi32>
    %and3A = arith.constant 127 : i32
    %and3A_141 = vector.broadcast %and3A : i32 to vector<10000x128xi32>
    %and3A_142 = arith.andi %iota3A_139, %and3A_141 : vector<10000x128xi32>
    %eq3A_143 = arith.cmpi eq, %and3A_142, %iota3A_140 : vector<10000x128xi32>
    %convert_element_type3A_144 = arith.extui %eq3A_143 : vector<10000x128xi1> to vector<10000x128xi32>
    %convert_element_type3A_145 = arith.sitofp %convert_element_type3A_144 : vector<10000x128xi32> to vector<10000x128xf32>
    %mul3A = arith.mulf %dot_general3A_138, %convert_element_type3A_145 : vector<10000x128xf32>
    %reduce_sum3A = arith.constant dense<0.000000e+00> : vector<10000xf32>
    %reduce_sum3A_146 = vector.multi_reduction <add>, %mul3A, %reduce_sum3A [1] : vector<10000x128xf32> to vector<10000xf32>
    %broadcast_in_dim3A_147 = vector.shape_cast %reduce_sum3A_146 : vector<10000xf32> to vector<10000x1xf32>
    %max3A = arith.constant 1.000000e+00 : f32
    %max3A_148 = vector.broadcast %max3A : f32 to vector<10000x1xf32>
    %max3A_149 = arith.maximumf %broadcast_in_dim3A_147, %max3A_148 : vector<10000x1xf32>
    %div3A = vector.broadcast %max3A_149 : vector<10000x1xf32> to vector<10000x128xf32>
    %div3A_150 = arith.divf %add3A, %div3A : vector<10000x128xf32>
    %get3A_151 = arith.constant 0 : index
    %get3A_152 = arith.constant 0 : index
    %get3A_153 = vector.load %arg2[%get3A_151, %get3A_152] : memref<64x128xf32, #tpu.memory_space<vmem>>, vector<64x128xf32>
    %dot_general3A_154 = arith.constant dense<0.000000e+00> : vector<10000x64xf32>
    %dot_general3A_155 = tpu.matmul %div3A_150, %get3A_153, %dot_general3A_154 {dimension_numbers = #tpu.dot_dimension_numbers<[1], [1], [0], [0], [0, 0, 1, 0], [], []>, transpose_lhs_hint = false} : vector<10000x128xf32>, vector<64x128xf32>, vector<10000x64xf32> -> vector<10000x64xf32>
    %get3A_156 = arith.constant 0 : index
    %get3A_157 = arith.constant 0 : index
    %get3A_158 = vector.load %arg3[%get3A_156, %get3A_157] : memref<1x64xf32, #tpu.memory_space<vmem>>, vector<1x64xf32>
    %add3A_159 = vector.broadcast %get3A_158 : vector<1x64xf32> to vector<10000x64xf32>
    %add3A_160 = arith.addf %dot_general3A_155, %add3A_159 : vector<10000x64xf32>
    %tanh3A = math.tanh %add3A_160 : vector<10000x64xf32>
    %get3A_161 = arith.constant 0 : index
    %get3A_162 = arith.constant 0 : index
    %get3A_163 = vector.load %arg4[%get3A_161, %get3A_162] : memref<1x64xf32, #tpu.memory_space<vmem>>, vector<1x64xf32>
    %dot_general3A_164 = arith.constant dense<0.000000e+00> : vector<10000x1xf32>
    %dot_general3A_165 = tpu.matmul %tanh3A, %get3A_163, %dot_general3A_164 {dimension_numbers = #tpu.dot_dimension_numbers<[1], [1], [0], [0], [0, 0, 1, 0], [], []>, transpose_lhs_hint = false} : vector<10000x64xf32>, vector<1x64xf32>, vector<10000x1xf32> -> vector<10000x1xf32>
    %gt3A = arith.constant 0.000000e+00 : f32
    %gt3A_166 = vector.broadcast %gt3A : f32 to vector<10000x1xf32>
    %gt3A_167 = arith.cmpf ogt, %broadcast_in_dim3A_147, %gt3A_166 : vector<10000x1xf32>
    %broadcast_in_dim3A_168 = arith.constant -1.000000e+30 : f32
    %broadcast_in_dim3A_169 = vector.broadcast %broadcast_in_dim3A_168 : f32 to vector<10000x1xf32>
    %select_n3A = arith.select %gt3A_167, %dot_general3A_165, %broadcast_in_dim3A_169 : vector<10000x1xi1>, vector<10000x1xf32>
    %reduce_max3A = vector.shape_cast %select_n3A : vector<10000x1xf32> to vector<1x10000x1xf32>
    %reduce_max3A_170 = arith.constant dense<0xFF800000> : vector<1xf32>
    %reduce_max3A_171 = vector.multi_reduction <maximumf>, %reduce_max3A, %reduce_max3A_170 [1, 2] : vector<1x10000x1xf32> to vector<1xf32>
    %reduce_max3A_172 = vector.shape_cast %reduce_max3A_171 : vector<1xf32> to vector<1x1x1xf32>
    %reduce_max3A_173 = vector.extract %reduce_max3A_172[0, 0, 0] : f32 from vector<1x1x1xf32>
    %sub3A = vector.broadcast %reduce_max3A_173 : f32 to vector<10000x1xf32>
    %sub3A_174 = arith.subf %select_n3A, %sub3A : vector<10000x1xf32>
    %exp3A = math.exp %sub3A_174 : vector<10000x1xf32>
    %reduce_sum3A_175 = vector.shape_cast %exp3A : vector<10000x1xf32> to vector<1x10000x1xf32>
    %reduce_sum3A_176 = arith.constant dense<0.000000e+00> : vector<1xf32>
    %reduce_sum3A_177 = vector.multi_reduction <add>, %reduce_sum3A_175, %reduce_sum3A_176 [1, 2] : vector<1x10000x1xf32> to vector<1xf32>
    %reduce_sum3A_178 = vector.shape_cast %reduce_sum3A_177 : vector<1xf32> to vector<1x1x1xf32>
    %reduce_sum3A_179 = vector.extract %reduce_sum3A_178[0, 0, 0] : f32 from vector<1x1x1xf32>
    %div3A_180 = vector.broadcast %reduce_sum3A_179 : f32 to vector<10000x1xf32>
    %div3A_181 = arith.divf %exp3A, %div3A_180 : vector<10000x1xf32>
    %swap3A = arith.constant 0 : index
    %swap3A_182 = arith.constant 0 : index
    %swap3A_183 = vector.load %arg5[%swap3A, %swap3A_182] : memref<10000x1xf32, #tpu.memory_space<vmem>>, vector<10000x1xf32>
    tpu.vector_store %arg5[%swap3A, %swap3A_182], %div3A_181 {strides = array<i32>} : memref<10000x1xf32, #tpu.memory_space<vmem>>, vector<10000x1xf32>,
    return
  }
}

</mosaic_0001>

<sc_bundles>
// kernel: kernel.5.cloned.1.call-start
scs
__scs_entry_jumppad:
0x0: {  	(pc) =	sbr.rel $0x88, $3  }
0x1: {  	(tag) =	ssettag $0x0;
	lr =	simm.s32 $0x1  }
0x2: {  	[smem:$0x3F9C] =	sst lr;
	_ =	strace $0xD0000000  }
0x3: {  	_ = 	snop  }
0x4: {  	_ = 	snop  }
0x5: {  	_ = 	snop  }
0x6: {  	_ = 	snop  }
0x7: {  	_ = 	snop  }
__scs_overlays_trampoline_lowered:
0x8: {  	[smem:$0x3FAB] =	sst s0  }
0x9: {  	[smem:$0x3FAC] =	sst s1  }
0xa: {  	[smem:$0x3FAD] =	sst s2  }
0xb: {  	[smem:$0x3FAE] =	sst s3  }
0xc: {  	[smem:$0x3FAF] =	sst s4  }
0xd: {  	[smem:$0x3FB0] =	sst s5  }
0xe: {  	[smem:$0x3FB1] =	sst s6  }
0xf: {  	[smem:$0x3FB2] =	sst s7  }
0x10: {  	[smem:$0x3FB3] =	sst s8  }
0x11: {  	[smem:$0x3FB4] =	sst s9;
	s0 =	simm.s32 @!p0 $0x0  }
0x12: {  	s1 =	sld [smem:$0x3F9A];
	s0 =	simm.s32 @p0 $0x1  }
0x13: {  	[smem:$0x3FB5] =	sst s0;
	s0 =	simm.s32 @!p1 $0x0  }
0x14: {  	s2 =	sld [smem:$0x3F99];
	s0 =	simm.s32 @p1 $0x1  }
0x15: {  	[smem:$0x3FB6] =	sst s0;
	s0 =	simm.s32 @!p2 $0x0  }
0x16: {  	s3 =	sld [smem:$0x3FDB];
	s0 =	simm.s32 @p2 $0x1  }
0x17: {  	s4 =	simm.s32 $0x1BF5;
	[smem:$0x3FB8] =	sst s0  }
0x18: {  	s0 =	sld [smem:$0x3F9B];
	_ =	swait.ge [sflag:s4], $0x0  }
0x19: {  	s7 =	sld [smem:$0x3F9C]  }
0x1a: {  	s8 =	sadd.s32 $0xFFFFE003, lr  }
0x1b: {  	s9 =	sadd.s32 $0xFFFFFEF7, lr;
	s5 =	simm.s32 $0xFFFFFFFF;
	p2 =	slt.u32 s8, $0xFFFFF086  }
0x1c: {  	p1 =	slt.u32 s9, $0xF7A;
	s5 =	simm.s32 @!p2 $0x0  }
0x1d: {  	s5 =	simm.s32 @p1 $0x1;
	p0 =	seq.s32 s7, s2  }
0x1e: {  	s7 =	smul.u32 @!p0 $0xF7A, s2;
	p2 =	seq.s32 @!p0 s5, $0x0  }
0x1f: {  	s9 =	smul.u32 $0xF7A, s1;
	s8 =	simm.s32 @!p0 $0x1BF5;
	p2 =	por !p2, p0  }
0x20: {  	[sflag:s8] =	ssyncset.s32 @!p0 $0xFFFFF086;
	s6 =	sadd.s32 @!p0 s3, s7;
	s7 =	simm.s32 @!p0 $0x108  }
0x21: {  	s3 =	sadd.s32 s3, s9;
	s6 =	sadd.s32 @!p0 $0x88, s6;
	s7 =	simm.s32 @p2 $0x1082  }
0x22: {  	[simem:s7], [sflag:s8] =	dma.local @!p0 [hbm:s6], $0xF7A  }
0x23: {  	s9 =	sor.u32 $0xD0000000, s2;
	s6 =	simm.s32 $0x108;
	_ =	swait.ge @!p0 [sflag:s8], $0x0  }
0x24: {  	s3 =	sadd.s32 $0x88, s3;
	s6 =	simm.s32 @!p1 $0x1082;
	[sflag:s4] =	ssyncset.s32 $0xFFFFF086  }
0x25: {  	[simem:s6], [sflag:s4] =	dma.local [hbm:s3], $0xF7A  }
0x26: {  	[smem:$0x3F9C] =	sst s1;
	(tag) =	ssettag s2;
	_ =	strace s9  }
0x27: {  	s1 =	sld [smem:$0x3FAC]  }
0x28: {  	s2 =	sld [smem:$0x3FAD]  }
0x29: {  	s4 =	sld [smem:$0x3FAF]  }
0x2a: {  	p0 =	seq.s32 s5, $0x0;
	s5 =	sld [smem:$0x3FB0]  }
0x2b: {  	s6 =	sld [smem:$0x3FB1]  }
0x2c: {  	s7 =	sld [smem:$0x3FB2]  }
0x2d: {  	s3 =	simm.s32 $0x108;
	s8 =	sld [smem:$0x3FB3]  }
0x2e: {  	s3 =	simm.s32 @!p0 $0x1082;
	s9 =	sld [smem:$0x3FB4]  }
0x2f: {  	lr =	sadd.s32 s0, s3;
	s0 =	sld [smem:$0x3FAB]  }
0x30: {  	s3 =	sld [smem:$0x3FAE]  }
0x31: {  	[smem:$0x3FB7] =	sst s10  }
0x32: {  	s10 =	sld [smem:$0x3FB5];
	_ =	sdelay $0x3  }
0x33: {  	p0 =	seq.s32 s10, $0x1;
	s10 =	sld [smem:$0x3FB7];
	_ =	sdelay $0x3  }
0x34: {  	[smem:$0x3FB7] =	sst s10  }
0x35: {  	s10 =	sld [smem:$0x3FB6];
	_ =	sdelay $0x3  }
0x36: {  	p1 =	seq.s32 s10, $0x1;
	s10 =	sld [smem:$0x3FB7];
	_ =	sdelay $0x3  }
0x37: {  	[smem:$0x3FB7] =	sst s10  }
0x38: {  	s10 =	sld [smem:$0x3FB8]  }
0x39: {  	_ = 	snop;
	(pc) =	sbr.ind lr, $3  }
0x3a: {  	_ = 	snop  }
0x3b: {  	_ = 	snop  }
0x3c: {  	p2 =	seq.s32 s10, $0x1;
	s10 =	sld [smem:$0x3FB7]  }
0x3d: {  	_ =	shalt  }
0x3e: {  	_ =	shalt  }
0x3f: {  	_ =	shalt  }
0x40: {  	_ =	shalt  }
0x41: {  	_ =	shalt  }
0x42: {  	_ =	shalt  }
0x43: {  	_ =	shalt  }
0x44: {  	_ =	shalt  }
0x45: {  	_ =	shalt  }
0x46: {  	_ =	shalt  }
0x47: {  	_ =	shalt  }
0x48: {  	_ =	shalt  }
0x49: {  	_ =	shalt  }
0x4a: {  	_ =	shalt  }
0x4b: {  	_ =	shalt  }
0x4c: {  	_ =	shalt  }
0x4d: {  	_ =	shalt  }
0x4e: {  	_ =	shalt  }
0x4f: {  	_ =	shalt  }
0x50: {  	_ =	shalt  }
0x51: {  	_ =	shalt  }
0x52: {  	_ =	shalt  }
0x53: {  	_ =	shalt  }
0x54: {  	_ =	shalt  }
0x55: {  	_ =	shalt  }
0x56: {  	_ =	shalt  }
0x57: {  	_ =	shalt  }
0x58: {  	_ =	shalt  }
0x59: {  	_ =	shalt  }
0x5a: {  	_ =	shalt  }
0x5b: {  	_ =	shalt  }
0x5c: {  	_ =	shalt  }
0x5d: {  	_ =	shalt  }
0x5e: {  	_ =	shalt  }
0x5f: {  	_ =	shalt  }
0x60: {  	_ =	shalt  }
0x61: {  	_ =	shalt  }
0x62: {  	_ =	shalt  }
0x63: {  	_ =	shalt  }
0x64: {  	_ =	shalt  }
0x65: {  	_ =	shalt  }
0x66: {  	_ =	shalt  }
0x67: {  	_ =	shalt  }
0x68: {  	_ =	shalt  }
0x69: {  	_ =	shalt  }
0x6a: {  	_ =	shalt  }
0x6b: {  	_ =	shalt  }
0x6c: {  	_ =	shalt  }
0x6d: {  	_ =	shalt  }
0x6e: {  	_ =	shalt  }
0x6f: {  	_ =	shalt  }
0x70: {  	_ =	shalt  }
0x71: {  	_ =	shalt  }
0x72: {  	_ =	shalt  }
0x73: {  	_ =	shalt  }
0x74: {  	_ =	shalt  }
0x75: {  	_ =	shalt  }
0x76: {  	_ =	shalt  }
0x77: {  	_ =	shalt  }
0x78: {  	_ =	shalt  }
0x79: {  	_ =	shalt  }
0x7a: {  	_ =	shalt  }
0x7b: {  	_ =	shalt  }
0x7c: {  	_ =	shalt  }
0x7d: {  	_ =	shalt  }
0x7e: {  	_ =	shalt  }
0x7f: {  	_ =	shalt  }
0x80: {  	_ =	shalt  }
0x81: {  	_ =	shalt  }
0x82: {  	_ =	shalt  }
0x83: {  	_ =	shalt  }
0x84: {  	_ =	shalt  }
0x85: {  	_ =	shalt  }
0x86: {  	_ =	shalt  }
0x87: {  	_ =	shalt  }
.Lfunc_end0:
.L_simem_size_0:
called_computation_lowered:
.L_overlay_start_0:
0x88: {  	s2 =	sld [smem:$0x3FD9]  }
0x89: {  	s3 =	sld [smem:$0x3FFE];
	_ =	sdelay $0x1  }
0x8a: {  	s1 =	srdreg.scid  }
0x8b: {  	s0 =	sand.u32 $0x1, s1  }
0x8c: {  	s17 =	sshll.u32 s0, $0xA;
	s2 =	sadd.s32 s3, s2  }
0x8d: {  	s2 =	sadd.s32 s2, s17  }
0x8e: {  	[smem:$0x3FC3] =	sst s2  }
0x8f: {  	_ = 	snop  }
0x90: {  	s2 =	sld [smem:$0x3FC9]  }
0x91: {  	s18 =	sld [smem:$0x3FC8];
	(tm) =	ssettm $0x1  }
0x92: {  	s4 =	sld [smem:$0x3FFB];
	_ =	sdelay $0x3  }
0x93: {  	_ =	strace s4  }
0x94: {  	s4 =	sld [smem:$0x3FFC];
	_ =	sdelay $0x3  }
0x95: {  	_ =	strace s4  }
0x96: {  	s4 =	sld [smem:$0x3FFD];
	_ =	sdelay $0x3  }
0x97: {  	_ =	strace s4  }
0x98: {  	_ =	strace $0x8FFFFFFF  }
0x99: {  	s19 =	sld [smem:$0x3FDB];
	_ =	sdelay $0x1  }
0x9a: {  	s5 =	simm.s32 $_scs_section_size  }
0x9b: {  	s6 =	simm.s32 $_size__tile_overlayer_lowered;
	s7 =	simm.s32 $_tile_overlayer_lowered  }
0x9c: {  	s22 =	simm.s32 $0x1BFF;
	s21 =	sshll.u32 s7, $0x1;
	s4 =	sadd.s32 s5, s19  }
0x9d: {  	s8 =	simm.s32 $0x0;
	s20 =	sshll.u32 s6, $0x1;
	s6 =	sadd.s32 s21, s4  }
0x9e: {  	[timem:s8], [sflag:s22] =	dma.local [hbm:s6], s20  }
0x9f: {  	_ =	swait.ge [sflag:s22], s20  }
0xa0: {  	s5 =	ssub.s32 $0x0, s20;
	[sflag:s22] =	ssyncset.done $0x0  }
0xa1: {  	[sflag:s22] =	ssyncadd.s32 s5;
	_ =	sdelay $0x1  }
0xa2: {  	s23 =	simm.s32 $0x1B8B  }
0xa3: {  	_ =	swait.ge [sflag:s23], $0x1  }
0xa4: {  	[sflag:s23] =	ssyncset.done $0x0  }
0xa5: {  	s25 =	simm.s32 $0x1B8E;
	s24 =	sld [smem:$0x3FFE];
	[sflag:s23] =	ssyncadd.s32 $0xFFFFFFFF  }
0xa6: {  	s26 =	simm.s32 $execute0_lowered;
	[smem:$0x3FD2] =	sst s25  }
0xa7: {  	s6 =	sshll.u32 s26, $0x1;
	_ =	strace $0x80000046;
	[dreg:$0x1] =	wrdreg $0xFFFFFFFF  }
0xa8: {  	s28 =	simm.s32 $_size_execute0_lowered;
	s4 =	sadd.s32 s4, s6;
	[dreg:$0x0] =	wrdreg $0x0  }
0xa9: {  	s6 =	sshll.u32 s28, $0x1;
	[dreg:$0x2] =	wrdreg s4  }
0xaa: {  	[dreg:$0x3] =	wrdreg s6  }
0xab: {  	[dreg:$0x4] =	wrdreg $0xC0  }
0xac: {  	_ =	task [dreg:s8], $0x5FFFF  }
0xad: {  	[dreg:$0x1] =	wrdreg $0xFFFFFFFF  }
0xae: {  	[dreg:$0x0] =	wrdreg $0x60  }
0xaf: {  	[dreg:$0x2] =	wrdreg s2  }
0xb0: {  	[dreg:$0x3] =	wrdreg s18  }
0xb1: {  	[dreg:$0x4] =	wrdreg s24  }
0xb2: {  	[dreg:$0x5] =	wrdreg $0x0  }
0xb3: {  	[dreg:$0x6] =	wrdreg $0x9  }
0xb4: {  	_ =	task.clear_ibuf [dreg:s8], $0x7FFFF;
	_ =	strace $0x90000046  }
0xb5: {  	s29 =	simm.s32 $0x9;
	_ =	strace $0x80000048  }
0xb6: {  	_ =	swait.ge [sflag:s29], $0x1  }
0xb7: {  	[sflag:s29] =	ssyncadd.s32 $0xFFFFFFFF  }
0xb8: {  	_ =	strace $0x90000048  }
0xb9: {  	_ =	sfence  }
0xba: {  	s30 =	sld [smem:$0x0];
	_ =	sdelay $0x2  }
0xbb: {  	s31 =	sshll.u32 s1, $0xD;
	s1 =	sshrl.u32 s1, $0x2  }
0xbc: {  	s3 =	sand.u32 $0x4000, s31;
	s1 =	sadd.s32 s1, s30  }
0xbd: {  	s0 =	sor.u32 s3, s0;
	s1 =	sshll.u32 s1, $0x11  }
0xbe: {  	s0 =	sor.u32 s1, s0  }
0xbf: {  	s0 =	sadd.s32 $0x8F2B, s0  }
0xc0: {  	[sflag:s0] =	ssyncadd.remote.s32 $0x1  }
0xc1: {  	_ =	sfence.sel $0xFFFF  }
0xc2: {  	[dreg:$0x0] =	wrdreg $0xFFFFFFFF;
	(pc) =	sbr.abs _section_cstart, $3  }
0xc3: {  	[dreg:$0x1] =	wrdreg $0xFFFFFFFF  }
0xc4: {  	_ =	task.clear_ibuf [dreg:s8], $0x2FFFF;
	_ =	strace $0x9FFFFFFF  }
0xc5: {  	(tm) =	ssettm $0x7FFFFFFF  }
tec
execute0_lowered:
.L_overlay_start_1:
0x0: {  	(tag) =	ssettag $0x1  }
0x1: {  	s0 =	rddreg [dreg:$0x0]  }
0x2: {  	s1 =	rddreg [dreg:$0x1]  }
0x3: {  	s4 =	rddreg [dreg:$0x2]  }
0x4: {  	s3 =	srdreg.scid;
	s23 =	stileid.u32  }
0x5: {  	s2 =	rddreg [dreg:$0x3];
	s28 =	simm.s32 $0x19000;
	s5 =	smul.u32 $0x280, s23  }
0x6: {  	s29 =	simm.s32 $0x1B800;
	s30 =	simm.s32 $0x50;
	s17 =	smul.u32 $0x50000, s23  }
0x7: {  	s12 =	sand.u32 $0x1, s3;
	s3 =	simm.s32 $0x0;
	s26 =	smul.u32 $0x27100, s23  }
0x8: {  	s31 =	simm.s32 $0x16800;
	s6 =	smul.u32 $0x2800, s12;
	[smem:$0x7FF] =	sst s3  }
0x9: {  	s7 =	sshll.u32 s12, $0x4;
	s18 =	ssub.s32 $0x2, s12;
	s25 =	smul.u32 $0x271000, s12  }
0xa: {  	s16 =	sor.u32 s23, s7;
	_ =	strace $0x80000047;
	s7 =	sshrl.u32 s17, $0x2  }
0xb: {  	s19 =	sshrl.u32 s18, $0x1;
	s5 =	sadd.s32 s5, s6;
	s8 =	smul.u32 $0x500, s16  }
0xc: {  	s22 =	ssub.s32 s18, s19;
	s11 =	smul.u32 $0x2710, s16;
	s0 =	sadd.s32 s25, s0  }
0xd: {  	s25 =	simm.s32 $0x1;
	s5 =	sshll.u32 s5, $0x4;
	s22 =	smax.u32 s22, $0x1  }
0xe: {  	s21 =	sadd.s32 s5, s4;
	s13 =	sadd.s32 s8, s4;
	s4 =	sadd.s32 s7, s2  }
0xf: {  	s23 =	sadd.s32 s26, s0;
	s14 =	sshrl.u32 s11, $0x3;
	s5 =	sadd.s32 $0x2800, s4  }
0x10: {  	s6 =	sadd.s32 $0x5000, s4;
	s7 =	sadd.s32 $0x7800, s4;
	s8 =	sadd.s32 $0xA000, s4  }
0x11: {  	s9 =	sadd.s32 $0xC800, s4;
	s10 =	sadd.s32 $0xF000, s4;
	s11 =	sadd.s32 $0x11800, s4  }
0x12: {  	s1 =	sadd.s32 s1, s14;
	s20 =	sadd.s32 $0x51200, s13;
	s24 =	sadd.s32 $0x1200, s21  }
0x13: {  	s15 =	sadd.s32 $0x1700, s21;
	s16 =	sadd.s32 $0x1C00, s21;
	[dreg:$0x5] =	wrdreg s1  }
0x14: {  	s17 =	sadd.s32 $0x2100, s21;
	s18 =	sadd.s32 $0x2600, s21;
	[dreg:$0x6] =	wrdreg s20  }
0x15: {  	v0 =	vimm.f32 $0.0e+00;
	v1 =	vlaneseq.u32;
	s19 =	sadd.s32 $0x2B00, s21;
	[dreg:$0x7] =	wrdreg s24;
	s20 =	sadd.s32 $0x3000, s21  }
0x16: {  	v2 =	vimm.s32 $0xFFFFFFFF;
	v3 =	vimm.s32 $0x40000000;
	v4 =	vadd.s32 $0x1, v1;
	s21 =	sadd.s32 $0x3500, s21;
	s24 =	simm.s32 $0x14000;
	s1 =	simm.s32 $0x0  }
.LBB2_1:
0x17: {  	s0 =	simm.s32 $0x40;
	s12 =	simm.s32 $0x0  }
.LBB2_2:
0x18: {  	p0 =	sne.s32 s0, $0x9FC0;
	[tilespmem:s12+$0x1B800] =	vst v0;
	s26 =	smov.u32 s0;
	s0 =	sadd.s32 $0x40, s0  }
.Ltmp0:
0x19: {  	[tilespmem:s12+$0x14000] =	vst v0;
	(pc) =	sbr.rel @p0 .LBB2_2-.Ltmp0, $2  }
0x1a: {  	[tilespmem:s12+$0x19000] =	vst v0;
	_ =	sdelay $0x2  }
0x1b: {  	s12 =	sshra.s32 s26, $0x2  }
0x1c: {  	[tilespmem:s12+$0x1B800] =	vst v0  }
0x1d: {  	[tilespmem:s12+$0x14000] =	vst v0  }
0x1e: {  	[tilespmem:s12+$0x19000] =	vst v0  }
0x1f: {  	[spmem:s4] =	stream.linear.scatter [tilespmem:s24], [sflag:$0x1], $0x2800, $0x38;
	[tilespmem:$0x1E000] =	vst v63  }
0x20: {  	_ =	swait.ge [sflag:s25], $0x2800  }
0x21: {  	[sflag:s25] =	ssyncset.done $0x0  }
0x22: {  	[sflag:s25] =	ssyncadd.s32 $0xFFFFD800  }
0x23: {  	[spmem:s5] =	stream.linear.scatter [tilespmem:s24], [sflag:$0x1], $0x2800, $0x38;
	[tilespmem:$0x1E000] =	vst v63  }
0x24: {  	_ =	swait.ge [sflag:s25], $0x2800  }
0x25: {  	[sflag:s25] =	ssyncset.done $0x0  }
0x26: {  	[sflag:s25] =	ssyncadd.s32 $0xFFFFD800  }
0x27: {  	[spmem:s6] =	stream.linear.scatter [tilespmem:s24], [sflag:$0x1], $0x2800, $0x38;
	[tilespmem:$0x1E000] =	vst v63  }
0x28: {  	_ =	swait.ge [sflag:s25], $0x2800  }
0x29: {  	[sflag:s25] =	ssyncset.done $0x0  }
0x2a: {  	[sflag:s25] =	ssyncadd.s32 $0xFFFFD800  }
0x2b: {  	[spmem:s7] =	stream.linear.scatter [tilespmem:s24], [sflag:$0x1], $0x2800, $0x38;
	[tilespmem:$0x1E000] =	vst v63  }
0x2c: {  	_ =	swait.ge [sflag:s25], $0x2800  }
0x2d: {  	[sflag:s25] =	ssyncset.done $0x0  }
0x2e: {  	[sflag:s25] =	ssyncadd.s32 $0xFFFFD800  }
0x2f: {  	[spmem:s8] =	stream.linear.scatter [tilespmem:s24], [sflag:$0x1], $0x2800, $0x38;
	[tilespmem:$0x1E000] =	vst v63  }
0x30: {  	_ =	swait.ge [sflag:s25], $0x2800  }
0x31: {  	[sflag:s25] =	ssyncset.done $0x0  }
0x32: {  	[sflag:s25] =	ssyncadd.s32 $0xFFFFD800  }
0x33: {  	[spmem:s9] =	stream.linear.scatter [tilespmem:s24], [sflag:$0x1], $0x2800, $0x38;
	[tilespmem:$0x1E000] =	vst v63  }
0x34: {  	_ =	swait.ge [sflag:s25], $0x2800  }
0x35: {  	[sflag:s25] =	ssyncset.done $0x0  }
0x36: {  	[sflag:s25] =	ssyncadd.s32 $0xFFFFD800  }
0x37: {  	[spmem:s10] =	stream.linear.scatter [tilespmem:s24], [sflag:$0x1], $0x2800, $0x38;
	[tilespmem:$0x1E000] =	vst v63  }
0x38: {  	_ =	swait.ge [sflag:s25], $0x2800  }
0x39: {  	[sflag:s25] =	ssyncset.done $0x0  }
0x3a: {  	[sflag:s25] =	ssyncadd.s32 $0xFFFFD800  }
0x3b: {  	[spmem:s11] =	stream.linear.scatter [tilespmem:s24], [sflag:$0x1], $0x2800, $0x38;
	[tilespmem:$0x1E000] =	vst v63  }
0x3c: {  	_ =	swait.ge [sflag:s25], $0x2800  }
0x3d: {  	[sflag:s25] =	ssyncset.done $0x0  }
0x3e: {  	[sflag:s25] =	ssyncadd.s32 $0xFFFFD800  }
0x3f: {  	[bflag:$0x0] =	sbarrier.arrive $0xFFFF  }
0x40: {  	s0 =	simm.s32 $0x0;
	s13 =	simm.s32 $0x16890;
	s26 =	rddreg [dreg:$0x5]  }
0x41: {  	[tilespmem:s13], [sflag:$0x1] =	stream.linear.gather [hbm4b:s26+s0], $0x2710, $0x38;
	[tilespmem:$0x1E000] =	vst v63  }
0x42: {  	_ =	swait.ge [sflag:s25], $0x2710  }
0x43: {  	[sflag:s25] =	ssyncset.done $0x0  }
0x44: {  	[sflag:s25] =	ssyncadd.s32 $0xFFFFD8F0  }
0x45: {  	[tilespmem:$0x16880] =	vst v2  }
0x46: {  	s26 =	simm.s32 $0x16891;
	[tilespmem:$0x18FA0] =	vst v3  }
0x47: {  	v6 =	vld [tilespmem:s26+$0x0]  }
0x48: {  	v5 =	vld [tilespmem:s26+$0xFFFFFFFF]  }
0x49: {  	s12 =	simm.s32 $0x10;
	v7 =	vld [tilespmem:s26+$0xFFFFFFFE]  }
.LBB2_4:
0x4a: {  	p0 =	sne.s32 s12, $0x2700;
	_ =	sdelay $0x2  }
0x4b: {  	vm0 =	vne.s32 v5, v6  }
0x4c: {  	vm1 =	vne.s32 v5, v7;
	_ =	sdelay $0x1  }
0x4d: {  	v6 =	vadd.s32 s0, v4  }
0x4e: {  	v7 =	vor.u32 s0, v1;
	v6 =	vcvt.s32.f32 v6;
	s0 =	smov.u32 s12  }
0x4f: {  	v7 =	vcvt.s32.f32 v7  }
.Ltmp1:
0x50: {  	[tilespmem:v5+s28+$0x0] =	vst.idx.msk vm0, v6;
	(pc) =	sbr.rel @p0 .LBB2_4-.Ltmp1, $4  }
0x51: {  	s26 =	sadd.s32 $0x10, s26;
	[tilespmem:v5+s29+$0x0] =	vst.idx.msk vm1, v7  }
0x52: {  	v6 =	vld [tilespmem:s26+$0x0]  }
0x53: {  	v5 =	vld [tilespmem:s26+$0xFFFFFFFF]  }
0x54: {  	s12 =	sadd.s32 $0x10, s12;
	v7 =	vld [tilespmem:s26+$0xFFFFFFFE]  }
0x55: {  	_ =	sdelay $0x2  }
0x56: {  	vm0 =	vne.s32 v5, v6  }
0x57: {  	vm1 =	vne.s32 v5, v7;
	_ =	sdelay $0x1  }
0x58: {  	v6 =	vadd.s32 s0, v4  }
0x59: {  	v7 =	vor.u32 s0, v1;
	v6 =	vcvt.s32.f32 v6  }
0x5a: {  	v7 =	vcvt.s32.f32 v7  }
0x5b: {  	[tilespmem:v5+s28+$0x0] =	vst.idx.msk vm0, v6  }
0x5c: {  	s0 =	simm.s32 $0x0;
	[tilespmem:v5+s29+$0x0] =	vst.idx.msk vm1, v7  }
0x5d: {  	s12 =	simm.s32 $0x40;
	v5 =	vld [tilespmem:s0+$0x1B800]  }
.LBB2_6:
0x5e: {  	p0 =	sne.s32 s12, $0x9FC0;
	v6 =	vld [tilespmem:s0+$0x19000];
	_ =	sdelay $0x2  }
.Ltmp2:
0x5f: {  	(pc) =	sbr.rel @p0 .LBB2_6-.Ltmp2, $4  }
0x60: {  	_ = 	snop  }
0x61: {  	v6 =	vsub.f32 v6, v5  }
0x62: {  	s26 =	sshra.s32 s12, $0x2  }
0x63: {  	s12 =	sadd.s32 $0x40, s12;
	v5 =	vld [tilespmem:s26+$0x1B800];
	[tilespmem:s0+$0x19000] =	vst v6;
	s0 =	smov.u32 s26  }
0x64: {  	v6 =	vld [tilespmem:s0+$0x19000];
	_ =	sdelay $0x4  }
0x65: {  	v5 =	vsub.f32 v6, v5;
	_ =	sdelay $0x1  }
0x66: {  	s13 =	simm.s32 $0x0;
	s12 =	rddreg [dreg:$0x6];
	[tilespmem:s0+$0x19000] =	vst v5  }
0x67: {  	[hbm4b:s12+s13] =	stream.linear.scatter [tilespmem:s28], [sflag:$0x1], $0x2800, $0x38;
	[tilespmem:$0x1E000] =	vst v63  }
0x68: {  	_ =	swait.ge [sflag:s25], $0x2800  }
0x69: {  	[sflag:s25] =	ssyncset.done $0x0  }
0x6a: {  	s14 =	sadd.s32 $0x0, s23;
	[sflag:s25] =	ssyncadd.s32 $0xFFFFD800  }
0x6b: {  	[tilespmem:s24], [sflag:$0x1] =	stream.linear.gather [hbm4b:s14+s3], $0x2800, $0x38;
	[tilespmem:$0x1E000] =	vst v63  }
0x6c: {  	_ =	swait.ge [sflag:s25], $0x2800  }
0x6d: {  	[sflag:s25] =	ssyncset.done $0x0  }
0x6e: {  	s26 =	simm.s32 $0x168B0;
	[sflag:s25] =	ssyncadd.s32 $0xFFFFD800  }
0x6f: {  	v5 =	vld [tilespmem:s26+$0xFFFFFFE0];
	_ =	sdelay $0x4  }
0x70: {  	[tilespmem:$0x16800] =	vst v5  }
0x71: {  	v5 =	vld [tilespmem:s26+$0xFFFFFFF0];
	_ =	sdelay $0x4  }
0x72: {  	[tilespmem:$0x16810] =	vst v5  }
0x73: {  	v5 =	vld [tilespmem:s26+$0x0];
	_ =	sdelay $0x4  }
0x74: {  	[tilespmem:$0x16820] =	vst v5  }
0x75: {  	v5 =	vld [tilespmem:s26+$0x10];
	_ =	sdelay $0x4  }
0x76: {  	[tilespmem:$0x16830] =	vst v5  }
0x77: {  	v5 =	vld [tilespmem:s26+$0x20];
	_ =	sdelay $0x4  }
0x78: {  	[tilespmem:$0x16840] =	vst v5  }
0x79: {  	[spmem:s2] =	stream.indirect.scatter.add.f32 [tilespmem:s24], [sflag:$0x1], $0x80, s31, s30, $0xb8;
	[tilespmem:$0x1E000] =	vst v63  }
0x7a: {  	s0 =	simm.s32 $0x16900;
	_ =	swait.ge [sflag:s25], $0x2800  }
0x7b: {  	s12 =	simm.s32 $0xA00;
	s26 =	simm.s32 $0x500;
	[sflag:s25] =	ssyncset.done $0x0  }
.LBB2_8:
0x7c: {  	s13 =	sadd.s32 s26, s23  }
0x7d: {  	[sflag:s25] =	ssyncadd.s32 $0xFFFFD800;
	s26 =	smov.u32 s12;
	s14 =	sadd.s32 $0x500, s12  }
0x7e: {  	[tilespmem:s24], [sflag:$0x1] =	stream.linear.gather [hbm4b:s13+s3], $0x2800, $0x38;
	[tilespmem:$0x1E000] =	vst v63  }
0x7f: {  	p0 =	sne.s32 s12, $0x26C00;
	_ =	swait.ge [sflag:s25], $0x2800  }
0x80: {  	[sflag:s25] =	ssyncset.done $0x0  }
0x81: {  	[sflag:s25] =	ssyncadd.s32 $0xFFFFD800  }
0x82: {  	v5 =	vld [tilespmem:s0+$0xFFFFFFE0];
	_ =	sdelay $0x4  }
0x83: {  	[tilespmem:$0x16800] =	vst v5  }
0x84: {  	v5 =	vld [tilespmem:s0+$0xFFFFFFF0];
	_ =	sdelay $0x4  }
0x85: {  	[tilespmem:$0x16810] =	vst v5  }
0x86: {  	v5 =	vld [tilespmem:s0+$0x0];
	_ =	sdelay $0x4  }
0x87: {  	[tilespmem:$0x16820] =	vst v5  }
0x88: {  	v5 =	vld [tilespmem:s0+$0x10];
	_ =	sdelay $0x4  }
0x89: {  	[tilespmem:$0x16830] =	vst v5  }
0x8a: {  	v5 =	vld [tilespmem:s0+$0x20];
	_ =	sdelay $0x3  }
.Ltmp3:
0x8b: {  	(pc) =	sbr.rel @p0 .LBB2_8-.Ltmp3, $4  }
0x8c: {  	[tilespmem:$0x16840] =	vst v5  }
0x8d: {  	[spmem:s2] =	stream.indirect.scatter.add.f32 [tilespmem:s24], [sflag:$0x1], $0x80, s31, s30, $0xb8;
	[tilespmem:$0x1E000] =	vst v63  }
0x8e: {  	_ =	swait.ge [sflag:s25], $0x2800  }
0x8f: {  	s12 =	smov.u32 s14;
	s0 =	sadd.s32 $0x50, s0;
	[sflag:s25] =	ssyncset.done $0x0  }
0x90: {  	s12 =	sadd.s32 s26, s23;
	[sflag:s25] =	ssyncadd.s32 $0xFFFFD800  }
0x91: {  	[tilespmem:s24], [sflag:$0x1] =	stream.linear.gather [hbm4b:s12+s3], $0x2800, $0x38;
	[tilespmem:$0x1E000] =	vst v63  }
0x92: {  	_ =	swait.ge [sflag:s25], $0x2800  }
0x93: {  	[sflag:s25] =	ssyncset.done $0x0  }
0x94: {  	[sflag:s25] =	ssyncadd.s32 $0xFFFFD800  }
0x95: {  	v5 =	vld [tilespmem:s0+$0xFFFFFFE0];
	_ =	sdelay $0x4  }
0x96: {  	[tilespmem:$0x16800] =	vst v5  }
0x97: {  	v5 =	vld [tilespmem:s0+$0xFFFFFFF0];
	_ =	sdelay $0x4  }
0x98: {  	[tilespmem:$0x16810] =	vst v5  }
0x99: {  	v5 =	vld [tilespmem:s0+$0x0];
	_ =	sdelay $0x4  }
0x9a: {  	[tilespmem:$0x16820] =	vst v5  }
0x9b: {  	v5 =	vld [tilespmem:s0+$0x10];
	_ =	sdelay $0x4  }
0x9c: {  	[tilespmem:$0x16830] =	vst v5  }
0x9d: {  	v5 =	vld [tilespmem:s0+$0x20];
	_ =	sdelay $0x4  }
0x9e: {  	[tilespmem:$0x16840] =	vst v5  }
0x9f: {  	[spmem:s2] =	stream.indirect.scatter.add.f32 [tilespmem:s24], [sflag:$0x1], $0x80, s31, s30, $0xb8;
	[tilespmem:$0x1E000] =	vst v63  }
0xa0: {  	_ =	swait.ge [sflag:s25], $0x2800  }
0xa1: {  	[sflag:s25] =	ssyncset.done $0x0  }
0xa2: {  	[sflag:s25] =	ssyncadd.s32 $0xFFFFD800  }
0xa3: {  	[bflag:$0x0] =	sbarrier.arrive $0xFFFF  }
0xa4: {  	[tilespmem:s24], [sflag:$0x1] =	stream.linear.gather [spmem:s4], $0x2800, $0x38;
	[tilespmem:$0x1E000] =	vst v63  }
0xa5: {  	_ =	swait.ge [sflag:s25], $0x2800  }
0xa6: {  	[sflag:s25] =	ssyncset.done $0x0  }
0xa7: {  	s26 =	rddreg [dreg:$0x7];
	[sflag:s25] =	ssyncadd.s32 $0xFFFFD800  }
0xa8: {  	[hbm4b:s26+s3] =	stream.linear.scatter [tilespmem:s24], [sflag:$0x1], $0x2800, $0x38;
	[tilespmem:$0x1E000] =	vst v63  }
0xa9: {  	_ =	swait.ge [sflag:s25], $0x2800  }
0xaa: {  	[sflag:s25] =	ssyncset.done $0x0  }
0xab: {  	[sflag:s25] =	ssyncadd.s32 $0xFFFFD800  }
0xac: {  	[tilespmem:s24], [sflag:$0x1] =	stream.linear.gather [spmem:s5], $0x2800, $0x38;
	[tilespmem:$0x1E000] =	vst v63  }
0xad: {  	_ =	swait.ge [sflag:s25], $0x2800  }
0xae: {  	[sflag:s25] =	ssyncset.done $0x0  }
0xaf: {  	[sflag:s25] =	ssyncadd.s32 $0xFFFFD800  }
0xb0: {  	[hbm4b:s15+s3] =	stream.linear.scatter [tilespmem:s24], [sflag:$0x1], $0x2800, $0x38;
	[tilespmem:$0x1E000] =	vst v63  }
0xb1: {  	_ =	swait.ge [sflag:s25], $0x2800  }
0xb2: {  	[sflag:s25] =	ssyncset.done $0x0  }
0xb3: {  	[sflag:s25] =	ssyncadd.s32 $0xFFFFD800  }
0xb4: {  	[tilespmem:s24], [sflag:$0x1] =	stream.linear.gather [spmem:s6], $0x2800, $0x38;
	[tilespmem:$0x1E000] =	vst v63  }
0xb5: {  	_ =	swait.ge [sflag:s25], $0x2800  }
0xb6: {  	[sflag:s25] =	ssyncset.done $0x0  }
0xb7: {  	[sflag:s25] =	ssyncadd.s32 $0xFFFFD800  }
0xb8: {  	[hbm4b:s16+s3] =	stream.linear.scatter [tilespmem:s24], [sflag:$0x1], $0x2800, $0x38;
	[tilespmem:$0x1E000] =	vst v63  }
0xb9: {  	_ =	swait.ge [sflag:s25], $0x2800  }
0xba: {  	[sflag:s25] =	ssyncset.done $0x0  }
0xbb: {  	[sflag:s25] =	ssyncadd.s32 $0xFFFFD800  }
0xbc: {  	[tilespmem:s24], [sflag:$0x1] =	stream.linear.gather [spmem:s7], $0x2800, $0x38;
	[tilespmem:$0x1E000] =	vst v63  }
0xbd: {  	_ =	swait.ge [sflag:s25], $0x2800  }
0xbe: {  	[sflag:s25] =	ssyncset.done $0x0  }
0xbf: {  	[sflag:s25] =	ssyncadd.s32 $0xFFFFD800  }
0xc0: {  	[hbm4b:s17+s3] =	stream.linear.scatter [tilespmem:s24], [sflag:$0x1], $0x2800, $0x38;
	[tilespmem:$0x1E000] =	vst v63  }
0xc1: {  	_ =	swait.ge [sflag:s25], $0x2800  }
0xc2: {  	[sflag:s25] =	ssyncset.done $0x0  }
0xc3: {  	[sflag:s25] =	ssyncadd.s32 $0xFFFFD800  }
0xc4: {  	[tilespmem:s24], [sflag:$0x1] =	stream.linear.gather [spmem:s8], $0x2800, $0x38;
	[tilespmem:$0x1E000] =	vst v63  }
0xc5: {  	_ =	swait.ge [sflag:s25], $0x2800  }
0xc6: {  	[sflag:s25] =	ssyncset.done $0x0  }
0xc7: {  	[sflag:s25] =	ssyncadd.s32 $0xFFFFD800  }
0xc8: {  	[hbm4b:s18+s3] =	stream.linear.scatter [tilespmem:s24], [sflag:$0x1], $0x2800, $0x38;
	[tilespmem:$0x1E000] =	vst v63  }
0xc9: {  	_ =	swait.ge [sflag:s25], $0x2800  }
0xca: {  	[sflag:s25] =	ssyncset.done $0x0  }
0xcb: {  	[sflag:s25] =	ssyncadd.s32 $0xFFFFD800  }
0xcc: {  	[tilespmem:s24], [sflag:$0x1] =	stream.linear.gather [spmem:s9], $0x2800, $0x38;
	[tilespmem:$0x1E000] =	vst v63  }
0xcd: {  	_ =	swait.ge [sflag:s25], $0x2800  }
0xce: {  	[sflag:s25] =	ssyncset.done $0x0  }
0xcf: {  	[sflag:s25] =	ssyncadd.s32 $0xFFFFD800  }
0xd0: {  	[hbm4b:s19+s3] =	stream.linear.scatter [tilespmem:s24], [sflag:$0x1], $0x2800, $0x38;
	[tilespmem:$0x1E000] =	vst v63  }
0xd1: {  	_ =	swait.ge [sflag:s25], $0x2800  }
0xd2: {  	[sflag:s25] =	ssyncset.done $0x0  }
0xd3: {  	[sflag:s25] =	ssyncadd.s32 $0xFFFFD800  }
0xd4: {  	[tilespmem:s24], [sflag:$0x1] =	stream.linear.gather [spmem:s10], $0x2800, $0x38;
	[tilespmem:$0x1E000] =	vst v63  }
0xd5: {  	_ =	swait.ge [sflag:s25], $0x2800  }
0xd6: {  	[sflag:s25] =	ssyncset.done $0x0  }
0xd7: {  	[sflag:s25] =	ssyncadd.s32 $0xFFFFD800  }
0xd8: {  	[hbm4b:s20+s3] =	stream.linear.scatter [tilespmem:s24], [sflag:$0x1], $0x2800, $0x38;
	[tilespmem:$0x1E000] =	vst v63  }
0xd9: {  	_ =	swait.ge [sflag:s25], $0x2800  }
0xda: {  	[sflag:s25] =	ssyncset.done $0x0  }
0xdb: {  	[sflag:s25] =	ssyncadd.s32 $0xFFFFD800  }
0xdc: {  	[tilespmem:s24], [sflag:$0x1] =	stream.linear.gather [spmem:s11], $0x2800, $0x38;
	[tilespmem:$0x1E000] =	vst v63  }
0xdd: {  	s1 =	sadd.s32 $0x1, s1;
	_ =	swait.ge [sflag:s25], $0x2800  }
0xde: {  	p0 =	sne.s32 s1, s22;
	[sflag:s25] =	ssyncset.done $0x0  }
.Ltmp4:
0xdf: {  	[sflag:s25] =	ssyncadd.s32 $0xFFFFD800;
	(pc) =	sbr.rel @p0 .LBB2_1-.Ltmp4, $4  }
0xe0: {  	[hbm4b:s21+s3] =	stream.linear.scatter [tilespmem:s24], [sflag:$0x1], $0x2800, $0x38;
	[tilespmem:$0x1E000] =	vst v63  }
0xe1: {  	_ =	swait.ge [sflag:s25], $0x2800  }
0xe2: {  	[sflag:s25] =	ssyncset.done $0x0  }
0xe3: {  	[sflag:s25] =	ssyncadd.s32 $0xFFFFD800  }
0xe4: {  	_ =	sfence.sel $0x180000  }
0xe5: {  	[bflag:$0x0] =	sbarrier.arrive $0xFFFF  }
0xe6: {  	_ =	strace $0x90000047  }
0xe7: {  	s0 =	stileid.u32;
	[bflag:$0x2] =	sbarrier.arrive $0xFFFF  }
0xe8: {  	p0 =	sne.s32 s0, $0x0;
	s0 =	rddreg [dreg:$0x4]  }
0xe9: {  	s0 =	sadd.s32 @!p0 $0x100000, s0  }
0xea: {  	[sflag:s0] =	ssyncadd.tile.s32 @!p0 $0x1;
	_ =	shalt  }
.Lfunc_end2:
_tile_overlayer_lowered:
.L_overlay_start_2:
0xeb: {  	(tag) =	ssettag $0x2  }
0xec: {  	s0 =	rddreg [dreg:$0x0];
	s2 =	stileid.u32  }
0xed: {  	s1 =	rddreg [dreg:$0x1];
	p0 =	sne.s32 s2, $0x0  }
0xee: {  	s3 =	rddreg [dreg:$0x2];
	[bflag:$0x3] =	sbarrier.arrive $0xFFFF;
	s2 =	simm.s32 @!p0 $0x1C01  }
0xef: {  	[timem:s3], [sflag:s2] =	dma.local @!p0 [hbm:s0], s1  }
0xf0: {  	s0 =	simm.s32 @!p0 $0x1  }
0xf1: {  	_ =	swait.ge @!p0 [sflag:s0], s1  }
0xf2: {  	s1 =	ssub.s32 @!p0 $0x0, s1;
	[sflag:s0] =	ssyncset.done @!p0 $0x0  }
0xf3: {  	[sflag:s0] =	ssyncadd.s32 @!p0 s1  }
0xf4: {  	[bflag:$0x3] =	sbarrier.arrive $0xFFFF  }
0xf5: {  	_ =	shalt  }

// kernel: kernel.8.cloned.1.call-start
scs
__scs_entry_jumppad:
0x0: {  	(pc) =	sbr.rel $0x88, $3  }
0x1: {  	(tag) =	ssettag $0x0;
	lr =	simm.s32 $0x1  }
0x2: {  	[smem:$0x3F9C] =	sst lr;
	_ =	strace $0xD0000000  }
0x3: {  	_ = 	snop  }
0x4: {  	_ = 	snop  }
0x5: {  	_ = 	snop  }
0x6: {  	_ = 	snop  }
0x7: {  	_ = 	snop  }
__scs_overlays_trampoline_lowered:
0x8: {  	[smem:$0x3FAB] =	sst s0  }
0x9: {  	[smem:$0x3FAC] =	sst s1  }
0xa: {  	[smem:$0x3FAD] =	sst s2  }
0xb: {  	[smem:$0x3FAE] =	sst s3  }
0xc: {  	[smem:$0x3FAF] =	sst s4  }
0xd: {  	[smem:$0x3FB0] =	sst s5  }
0xe: {  	[smem:$0x3FB1] =	sst s6  }
0xf: {  	[smem:$0x3FB2] =	sst s7  }
0x10: {  	[smem:$0x3FB3] =	sst s8  }
0x11: {  	[smem:$0x3FB4] =	sst s9;
	s0 =	simm.s32 @!p0 $0x0  }
0x12: {  	s1 =	sld [smem:$0x3F9A];
	s0 =	simm.s32 @p0 $0x1  }
0x13: {  	[smem:$0x3FB5] =	sst s0;
	s0 =	simm.s32 @!p1 $0x0  }
0x14: {  	s2 =	sld [smem:$0x3F99];
	s0 =	simm.s32 @p1 $0x1  }
0x15: {  	[smem:$0x3FB6] =	sst s0;
	s0 =	simm.s32 @!p2 $0x0  }
0x16: {  	s3 =	sld [smem:$0x3FDB];
	s0 =	simm.s32 @p2 $0x1  }
0x17: {  	s4 =	simm.s32 $0x1BF5;
	[smem:$0x3FB8] =	sst s0  }
0x18: {  	s0 =	sld [smem:$0x3F9B];
	_ =	swait.ge [sflag:s4], $0x0  }
0x19: {  	s7 =	sld [smem:$0x3F9C]  }
0x1a: {  	s8 =	sadd.s32 $0xFFFFE003, lr  }
0x1b: {  	s9 =	sadd.s32 $0xFFFFFEF7, lr;
	s5 =	simm.s32 $0xFFFFFFFF;
	p2 =	slt.u32 s8, $0xFFFFF086  }
0x1c: {  	p1 =	slt.u32 s9, $0xF7A;
	s5 =	simm.s32 @!p2 $0x0  }
0x1d: {  	s5 =	simm.s32 @p1 $0x1;
	p0 =	seq.s32 s7, s2  }
0x1e: {  	s7 =	smul.u32 @!p0 $0xF7A, s2;
	p2 =	seq.s32 @!p0 s5, $0x0  }
0x1f: {  	s9 =	smul.u32 $0xF7A, s1;
	s8 =	simm.s32 @!p0 $0x1BF5;
	p2 =	por !p2, p0  }
0x20: {  	[sflag:s8] =	ssyncset.s32 @!p0 $0xFFFFF086;
	s6 =	sadd.s32 @!p0 s3, s7;
	s7 =	simm.s32 @!p0 $0x108  }
0x21: {  	s3 =	sadd.s32 s3, s9;
	s6 =	sadd.s32 @!p0 $0x88, s6;
	s7 =	simm.s32 @p2 $0x1082  }
0x22: {  	[simem:s7], [sflag:s8] =	dma.local @!p0 [hbm:s6], $0xF7A  }
0x23: {  	s9 =	sor.u32 $0xD0000000, s2;
	s6 =	simm.s32 $0x108;
	_ =	swait.ge @!p0 [sflag:s8], $0x0  }
0x24: {  	s3 =	sadd.s32 $0x88, s3;
	s6 =	simm.s32 @!p1 $0x1082;
	[sflag:s4] =	ssyncset.s32 $0xFFFFF086  }
0x25: {  	[simem:s6], [sflag:s4] =	dma.local [hbm:s3], $0xF7A  }
0x26: {  	[smem:$0x3F9C] =	sst s1;
	(tag) =	ssettag s2;
	_ =	strace s9  }
0x27: {  	s1 =	sld [smem:$0x3FAC]  }
0x28: {  	s2 =	sld [smem:$0x3FAD]  }
0x29: {  	s4 =	sld [smem:$0x3FAF]  }
0x2a: {  	p0 =	seq.s32 s5, $0x0;
	s5 =	sld [smem:$0x3FB0]  }
0x2b: {  	s6 =	sld [smem:$0x3FB1]  }
0x2c: {  	s7 =	sld [smem:$0x3FB2]  }
0x2d: {  	s3 =	simm.s32 $0x108;
	s8 =	sld [smem:$0x3FB3]  }
0x2e: {  	s3 =	simm.s32 @!p0 $0x1082;
	s9 =	sld [smem:$0x3FB4]  }
0x2f: {  	lr =	sadd.s32 s0, s3;
	s0 =	sld [smem:$0x3FAB]  }
0x30: {  	s3 =	sld [smem:$0x3FAE]  }
0x31: {  	[smem:$0x3FB7] =	sst s10  }
0x32: {  	s10 =	sld [smem:$0x3FB5];
	_ =	sdelay $0x3  }
0x33: {  	p0 =	seq.s32 s10, $0x1;
	s10 =	sld [smem:$0x3FB7];
	_ =	sdelay $0x3  }
0x34: {  	[smem:$0x3FB7] =	sst s10  }
0x35: {  	s10 =	sld [smem:$0x3FB6];
	_ =	sdelay $0x3  }
0x36: {  	p1 =	seq.s32 s10, $0x1;
	s10 =	sld [smem:$0x3FB7];
	_ =	sdelay $0x3  }
0x37: {  	[smem:$0x3FB7] =	sst s10  }
0x38: {  	s10 =	sld [smem:$0x3FB8]  }
0x39: {  	_ = 	snop;
	(pc) =	sbr.ind lr, $3  }
0x3a: {  	_ = 	snop  }
0x3b: {  	_ = 	snop  }
0x3c: {  	p2 =	seq.s32 s10, $0x1;
	s10 =	sld [smem:$0x3FB7]  }
0x3d: {  	_ =	shalt  }
0x3e: {  	_ =	shalt  }
0x3f: {  	_ =	shalt  }
0x40: {  	_ =	shalt  }
0x41: {  	_ =	shalt  }
0x42: {  	_ =	shalt  }
0x43: {  	_ =	shalt  }
0x44: {  	_ =	shalt  }
0x45: {  	_ =	shalt  }
0x46: {  	_ =	shalt  }
0x47: {  	_ =	shalt  }
0x48: {  	_ =	shalt  }
0x49: {  	_ =	shalt  }
0x4a: {  	_ =	shalt  }
0x4b: {  	_ =	shalt  }
0x4c: {  	_ =	shalt  }
0x4d: {  	_ =	shalt  }
0x4e: {  	_ =	shalt  }
0x4f: {  	_ =	shalt  }
0x50: {  	_ =	shalt  }
0x51: {  	_ =	shalt  }
0x52: {  	_ =	shalt  }
0x53: {  	_ =	shalt  }
0x54: {  	_ =	shalt  }
0x55: {  	_ =	shalt  }
0x56: {  	_ =	shalt  }
0x57: {  	_ =	shalt  }
0x58: {  	_ =	shalt  }
0x59: {  	_ =	shalt  }
0x5a: {  	_ =	shalt  }
0x5b: {  	_ =	shalt  }
0x5c: {  	_ =	shalt  }
0x5d: {  	_ =	shalt  }
0x5e: {  	_ =	shalt  }
0x5f: {  	_ =	shalt  }
0x60: {  	_ =	shalt  }
0x61: {  	_ =	shalt  }
0x62: {  	_ =	shalt  }
0x63: {  	_ =	shalt  }
0x64: {  	_ =	shalt  }
0x65: {  	_ =	shalt  }
0x66: {  	_ =	shalt  }
0x67: {  	_ =	shalt  }
0x68: {  	_ =	shalt  }
0x69: {  	_ =	shalt  }
0x6a: {  	_ =	shalt  }
0x6b: {  	_ =	shalt  }
0x6c: {  	_ =	shalt  }
0x6d: {  	_ =	shalt  }
0x6e: {  	_ =	shalt  }
0x6f: {  	_ =	shalt  }
0x70: {  	_ =	shalt  }
0x71: {  	_ =	shalt  }
0x72: {  	_ =	shalt  }
0x73: {  	_ =	shalt  }
0x74: {  	_ =	shalt  }
0x75: {  	_ =	shalt  }
0x76: {  	_ =	shalt  }
0x77: {  	_ =	shalt  }
0x78: {  	_ =	shalt  }
0x79: {  	_ =	shalt  }
0x7a: {  	_ =	shalt  }
0x7b: {  	_ =	shalt  }
0x7c: {  	_ =	shalt  }
0x7d: {  	_ =	shalt  }
0x7e: {  	_ =	shalt  }
0x7f: {  	_ =	shalt  }
0x80: {  	_ =	shalt  }
0x81: {  	_ =	shalt  }
0x82: {  	_ =	shalt  }
0x83: {  	_ =	shalt  }
0x84: {  	_ =	shalt  }
0x85: {  	_ =	shalt  }
0x86: {  	_ =	shalt  }
0x87: {  	_ =	shalt  }
.Lfunc_end0:
.L_simem_size_0:
called_computation.1_lowered:
.L_overlay_start_0:
0x88: {  	s2 =	sld [smem:$0x3FD9]  }
0x89: {  	s3 =	sld [smem:$0x3FFE];
	_ =	sdelay $0x1  }
0x8a: {  	s1 =	srdreg.scid  }
0x8b: {  	s0 =	sand.u32 $0x1, s1  }
0x8c: {  	s17 =	sshll.u32 s0, $0xA;
	s2 =	sadd.s32 s3, s2  }
0x8d: {  	s2 =	sadd.s32 s2, s17  }
0x8e: {  	[smem:$0x3FC3] =	sst s2  }
0x8f: {  	_ = 	snop  }
0x90: {  	s2 =	sld [smem:$0x3FC8]  }
0x91: {  	s18 =	sld [smem:$0x3FD0];
	(tm) =	ssettm $0x1  }
0x92: {  	s4 =	sld [smem:$0x3FFB];
	_ =	sdelay $0x3  }
0x93: {  	_ =	strace s4  }
0x94: {  	s4 =	sld [smem:$0x3FFC];
	_ =	sdelay $0x3  }
0x95: {  	_ =	strace s4  }
0x96: {  	s4 =	sld [smem:$0x3FFD];
	_ =	sdelay $0x3  }
0x97: {  	_ =	strace s4  }
0x98: {  	_ =	strace $0x8FFFFFFF  }
0x99: {  	s19 =	sld [smem:$0x3FDB];
	_ =	sdelay $0x1  }
0x9a: {  	s5 =	simm.s32 $_scs_section_size  }
0x9b: {  	s6 =	simm.s32 $_size__tile_overlayer_lowered;
	s7 =	simm.s32 $_tile_overlayer_lowered  }
0x9c: {  	s22 =	simm.s32 $0x1BFF;
	s21 =	sshll.u32 s7, $0x1;
	s4 =	sadd.s32 s5, s19  }
0x9d: {  	s8 =	simm.s32 $0x0;
	s20 =	sshll.u32 s6, $0x1;
	s6 =	sadd.s32 s21, s4  }
0x9e: {  	[timem:s8], [sflag:s22] =	dma.local [hbm:s6], s20  }
0x9f: {  	_ =	swait.ge [sflag:s22], s20  }
0xa0: {  	s5 =	ssub.s32 $0x0, s20;
	[sflag:s22] =	ssyncset.done $0x0  }
0xa1: {  	[sflag:s22] =	ssyncadd.s32 s5;
	_ =	sdelay $0x1  }
0xa2: {  	s23 =	simm.s32 $0x1B8B  }
0xa3: {  	_ =	swait.ge [sflag:s23], $0x1  }
0xa4: {  	[sflag:s23] =	ssyncset.done $0x0  }
0xa5: {  	s25 =	simm.s32 $0x1B8E;
	s24 =	sld [smem:$0x3FFE];
	[sflag:s23] =	ssyncadd.s32 $0xFFFFFFFF  }
0xa6: {  	s26 =	simm.s32 $execute0_lowered;
	[smem:$0x3FD2] =	sst s25  }
0xa7: {  	s6 =	sshll.u32 s26, $0x1;
	_ =	strace $0x80000049;
	[dreg:$0x1] =	wrdreg $0xFFFFFFFF  }
0xa8: {  	s28 =	simm.s32 $_size_execute0_lowered;
	s4 =	sadd.s32 s4, s6;
	[dreg:$0x0] =	wrdreg $0x0  }
0xa9: {  	s6 =	sshll.u32 s28, $0x1;
	[dreg:$0x2] =	wrdreg s4  }
0xaa: {  	[dreg:$0x3] =	wrdreg s6  }
0xab: {  	[dreg:$0x4] =	wrdreg $0xC0  }
0xac: {  	_ =	task [dreg:s8], $0x5FFFF  }
0xad: {  	[dreg:$0x1] =	wrdreg $0xFFFFFFFF  }
0xae: {  	[dreg:$0x0] =	wrdreg $0x60  }
0xaf: {  	[dreg:$0x2] =	wrdreg s18  }
0xb0: {  	[dreg:$0x3] =	wrdreg s2  }
0xb1: {  	[dreg:$0x4] =	wrdreg s24  }
0xb2: {  	[dreg:$0x5] =	wrdreg $0x9  }
0xb3: {  	_ =	task.clear_ibuf [dreg:s8], $0x6FFFF;
	_ =	strace $0x90000049  }
0xb4: {  	s29 =	simm.s32 $0x9;
	_ =	strace $0x8000004B  }
0xb5: {  	_ =	swait.ge [sflag:s29], $0x1  }
0xb6: {  	[sflag:s29] =	ssyncadd.s32 $0xFFFFFFFF  }
0xb7: {  	_ =	strace $0x9000004B  }
0xb8: {  	_ =	sfence  }
0xb9: {  	s30 =	sld [smem:$0x0];
	_ =	sdelay $0x2  }
0xba: {  	s31 =	sshll.u32 s1, $0xD;
	s1 =	sshrl.u32 s1, $0x2  }
0xbb: {  	s3 =	sand.u32 $0x4000, s31;
	s1 =	sadd.s32 s1, s30  }
0xbc: {  	s0 =	sor.u32 s3, s0;
	s1 =	sshll.u32 s1, $0x11  }
0xbd: {  	s0 =	sor.u32 s1, s0  }
0xbe: {  	s0 =	sadd.s32 $0x8F2B, s0  }
0xbf: {  	[sflag:s0] =	ssyncadd.remote.s32 $0x1  }
0xc0: {  	_ =	sfence.sel $0xFFFF  }
0xc1: {  	[dreg:$0x0] =	wrdreg $0xFFFFFFFF;
	(pc) =	sbr.abs _section_cstart, $3  }
0xc2: {  	[dreg:$0x1] =	wrdreg $0xFFFFFFFF  }
0xc3: {  	_ =	task.clear_ibuf [dreg:s8], $0x2FFFF;
	_ =	strace $0x9FFFFFFF  }
0xc4: {  	(tm) =	ssettm $0x7FFFFFFF  }
0xc5: {  	_ =	shalt  }
tec
execute0_lowered:
.L_overlay_start_1:
0x0: {  	(tag) =	ssettag $0x1  }
0x1: {  	s0 =	rddreg [dreg:$0x0]  }
0x2: {  	s1 =	srdreg.scid;
	s4 =	rddreg [dreg:$0x1]  }
0x3: {  	s6 =	rddreg [dreg:$0x2];
	s2 =	stileid.u32;
	s5 =	sand.u32 $0x1, s1  }
0x4: {  	s3 =	simm.s32 $0x0;
	s9 =	simm.s32 $0x4F00;
	s7 =	sshll.u32 s5, $0x4  }
0x5: {  	s10 =	simm.s32 $0x0;
	s5 =	ssub.s32 $0x2, s5;
	s7 =	sor.u32 s2, s7  }
0x6: {  	[smem:$0x7FF] =	sst s3;
	s8 =	sshrl.u32 s5, $0x1;
	s7 =	smul.u32 $0x4E2, s7  }
0x7: {  	s1 =	rddreg [dreg:$0x3];
	_ =	strace $0x8000004A;
	s8 =	ssub.s32 s5, s8  }
0x8: {  	s6 =	sadd.s32 s7, s6;
	s4 =	sadd.s32 s4, s7;
	s7 =	simm.s32 $0x1  }
0x9: {  	s5 =	sadd.s32 $0x1200, s6;
	s6 =	smax.u32 s8, $0x1;
	s8 =	simm.s32 $0x2780  }
.LBB2_1:
0xa: {  	[tilespmem:s3], [sflag:$0x1] =	stream.linear.gather [hbm4b:s0+s3], $0x2780, $0x38;
	[tilespmem:$0x7680] =	vst v63  }
0xb: {  	_ =	swait.ge [sflag:s7], $0x2780  }
0xc: {  	[sflag:s7] =	ssyncset.done $0x0  }
0xd: {  	[sflag:s7] =	ssyncadd.s32 $0xFFFFD880  }
0xe: {  	[tilespmem:s8], [sflag:$0x1] =	stream.linear.gather [hbm4b:s4+s3], $0x2710, $0x38;
	[tilespmem:$0x7680] =	vst v63  }
0xf: {  	_ =	swait.ge [sflag:s7], $0x2710  }
0x10: {  	[sflag:s7] =	ssyncset.done $0x0  }
0x11: {  	s11 =	simm.s32 $0x0;
	[sflag:s7] =	ssyncadd.s32 $0xFFFFD8F0  }
0x12: {  	v0 =	vld [tilespmem:s11+$0x2780];
	_ =	sdelay $0x7  }
0x13: {  	s12 =	simm.s32 $0x10;
	s13 =	simm.s32 $0x80;
	v0 =	vld.idx.msk [tilespmem:v0+s3+$0x0], $0xffff  }
.LBB2_2:
0x14: {  	p0 =	sne.s32 s13, $0x9C00;
	v1 =	vld [tilespmem:s12+$0x2780];
	_ =	sdelay $0x3  }
.Ltmp0:
0x15: {  	(pc) =	sbr.rel @p0 .LBB2_2-.Ltmp0, $2  }
0x16: {  	[tilespmem:s11+$0x4F00] =	vst v0;
	s11 =	smov.u32 s12;
	_ =	sdelay $0x2  }
0x17: {  	s12 =	sshra.s32 s13, $0x2;
	s13 =	sadd.s32 $0x40, s13;
	v0 =	vld.idx.msk [tilespmem:v1+s3+$0x0], $0xffff  }
0x18: {  	v1 =	vld [tilespmem:s12+$0x2780];
	_ =	sdelay $0x6  }
0x19: {  	[tilespmem:s11+$0x4F00] =	vst v0  }
0x1a: {  	v0 =	vld.idx.msk [tilespmem:v1+s3+$0x0], $0xffff;
	_ =	sdelay $0x2  }
0x1b: {  	s10 =	sadd.s32 $0x1, s10  }
0x1c: {  	p0 =	sne.s32 s10, s6  }
.Ltmp1:
0x1d: {  	[tilespmem:s12+$0x4F00] =	vst v0;
	(pc) =	sbr.rel @p0 .LBB2_1-.Ltmp1, $4  }
0x1e: {  	[hbm4b:s5+s3] =	stream.linear.scatter [tilespmem:s9], [sflag:$0x1], $0x2710, $0x38;
	[tilespmem:$0x7680] =	vst v63  }
0x1f: {  	_ =	swait.ge [sflag:s7], $0x2710  }
0x20: {  	[sflag:s7] =	ssyncset.done $0x0  }
0x21: {  	[sflag:s7] =	ssyncadd.s32 $0xFFFFD8F0  }
0x22: {  	_ =	sfence.sel $0x180000  }
0x23: {  	[bflag:$0x0] =	sbarrier.arrive $0xFFFF  }
0x24: {  	p0 =	sne.s32 s2, $0x0;
	_ =	strace $0x9000004A  }
0x25: {  	s0 =	sadd.s32 @!p0 $0x100000, s1;
	[bflag:$0x2] =	sbarrier.arrive $0xFFFF  }
0x26: {  	[sflag:s0] =	ssyncadd.tile.s32 @!p0 $0x1;
	_ =	shalt  }
.Lfunc_end2:
_tile_overlayer_lowered:
.L_overlay_start_2:
0x27: {  	(tag) =	ssettag $0x2  }
0x28: {  	s0 =	rddreg [dreg:$0x0];
	s2 =	stileid.u32  }
0x29: {  	s1 =	rddreg [dreg:$0x1];
	p0 =	sne.s32 s2, $0x0  }
0x2a: {  	s3 =	rddreg [dreg:$0x2];
	[bflag:$0x3] =	sbarrier.arrive $0xFFFF;
	s2 =	simm.s32 @!p0 $0x1C01  }
0x2b: {  	[timem:s3], [sflag:s2] =	dma.local @!p0 [hbm:s0], s1  }
0x2c: {  	s0 =	simm.s32 @!p0 $0x1  }
0x2d: {  	_ =	swait.ge @!p0 [sflag:s0], s1  }
0x2e: {  	s1 =	ssub.s32 @!p0 $0x0, s1;
	[sflag:s0] =	ssyncset.done @!p0 $0x0  }
0x2f: {  	[sflag:s0] =	ssyncadd.s32 @!p0 s1  }
0x30: {  	[bflag:$0x3] =	sbarrier.arrive $0xFFFF  }
0x31: {  	_ =	shalt  }

</sc_bundles>
